<compile_context>
chip_gen: v7x
topology: tpu7x:2x2x1
jax: 0.10.2.dev20260603
libtpu: 0.0.44.dev20260713+nightly
codegen_flags: <defaults>
</compile_context>

<pallas_src>
import functools
import math

import jax
import jax.numpy as jnp
from jax import lax
from jax.experimental import pallas as pl
from jax.experimental.pallas import tpu as pltpu
from jax.experimental.pallas import tpu_sc as plsc

BOS_IDX = 2
EOS_IDX = 3
AIR_IDX = 4
LINS_IDX = 5
EMB = 48
F = 12
NW = 32
CH = 128
SCALE = math.sqrt(float(EMB))


def _iota16():
    return lax.broadcasted_iota(jnp.int32, (16,), 0)


def _splat(x):
    return jnp.full((16,), x, jnp.int32)


def _sc_body(feats, emb_flat, wt_flat, b_flat, out_flat, tok_out,
             fbuf, obuf, embbuf, basepat, wtbuf, bbuf, tokbuf):
    wid = lax.axis_index("s") * 2 + lax.axis_index("c")
    r0 = wid * CH
    iota = _iota16()

    a = pl.multiple_of(jnp.maximum(12 * r0 - 16, 0), 8)
    pltpu.sync_copy(feats.at[pl.ds(a, 1552)], fbuf)
    pltpu.sync_copy(emb_flat.at[pl.ds(EMB * BOS_IDX, 4 * EMB)], embbuf)
    pltpu.sync_copy(wt_flat.at[pl.ds(0, 576)], wtbuf)
    pltpu.sync_copy(b_flat.at[pl.ds(0, EMB)], bbuf)

    for c in range(3):
        bb = bbuf[pl.ds(16 * c, 16)]
        basepat[pl.ds(16 * c, 16)] = embbuf[pl.ds(96 + 16 * c, 16)] * SCALE + bb
        basepat[pl.ds(48 + 16 * c, 16)] = embbuf[pl.ds(144 + 16 * c, 16)] * SCALE + bb

    delta = 12 * r0 - 12 - a

    def row(i, carry):
        pb = pl.multiple_of(48 * (i & 1), 16)
        ob = pl.multiple_of(48 * i, 16)
        fbase = 12 * i + delta
        fidx = [jnp.maximum(_splat(fbase + f), 0) for f in range(F)]
        fsp = [plsc.load_gather(fbuf, [fidx[f]]) for f in range(F)]
        for c in range(3):
            acc = basepat[pl.ds(pb + 16 * c, 16)]
            for f in range(F):
                acc = acc + fsp[f] * wtbuf[pl.ds(48 * f + 16 * c, 16)]
            obuf[pl.ds(ob + 16 * c, 16)] = acc
        return carry
    lax.fori_loop(0, CH, row, 0)

    for c in range(8):
        tokbuf[pl.ds(16 * c, 16)] = 4 + (iota & 1)

    @pl.when(wid == 0)
    def _():
        for c in range(3):
            obuf[pl.ds(16 * c, 16)] = embbuf[pl.ds(16 * c, 16)] * SCALE
        tokbuf[pl.ds(0, 16)] = jnp.where(iota == 0, BOS_IDX, 4 + (iota & 1))

    @pl.when(wid == NW - 1)
    def _():
        for c in range(3):
            acc = basepat[pl.ds(16 * c, 16)]
            for f in range(F):
                fs = plsc.load_gather(fbuf, [_splat(1540 + f)])
                acc = acc + fs * wtbuf[pl.ds(48 * f + 16 * c, 16)]
            obuf[pl.ds(6144 + 16 * c, 16)] = acc
            obuf[pl.ds(6192 + 16 * c, 16)] = embbuf[pl.ds(48 + 16 * c, 16)] * SCALE
        tokbuf[pl.ds(CH, 16)] = jnp.where(
            iota == 0, AIR_IDX, jnp.where(iota == 1, EOS_IDX, 0))

    @pl.when(wid < NW - 1)
    def _():
        pltpu.sync_copy(obuf.at[pl.ds(0, 6144)],
                        out_flat.at[pl.ds(pl.multiple_of(r0 * EMB, 8), 6144)])
        pltpu.sync_copy(tokbuf.at[pl.ds(0, CH)],
                        tok_out.at[pl.ds(pl.multiple_of(r0, 8), CH)])

    @pl.when(wid == NW - 1)
    def _():
        pltpu.sync_copy(obuf, out_flat.at[pl.ds(pl.multiple_of(r0 * EMB, 8), 6240)])
        pltpu.sync_copy(tokbuf.at[pl.ds(0, CH)],
                        tok_out.at[pl.ds(pl.multiple_of(r0, 8), CH)])
        pltpu.sync_copy(tokbuf.at[pl.ds(CH, 2)], tok_out.at[pl.ds(NW * CH, 2)])


def kernel(features, embedding, fc_w, fc_b):
    Bn, S, Fd = features.shape
    n_out = S + 2
    feats = features[0].reshape(-1)
    emb_flat = embedding.reshape(-1)
    wt_flat = fc_w.T.reshape(-1)
    mesh = plsc.VectorSubcoreMesh(core_axis_name="c", subcore_axis_name="s")
    k = functools.partial(
        pl.kernel,
        out_type=(
            jax.ShapeDtypeStruct((n_out * EMB,), jnp.float32),
            jax.ShapeDtypeStruct((n_out,), jnp.int32),
        ),
        mesh=mesh,
        compiler_params=pltpu.CompilerParams(needs_layout_passes=False),
        scratch_types=[
            pltpu.VMEM((1552,), jnp.float32),
            pltpu.VMEM((6240,), jnp.float32),
            pltpu.VMEM((192,), jnp.float32),
            pltpu.VMEM((96,), jnp.float32),
            pltpu.VMEM((576,), jnp.float32),
            pltpu.VMEM((48,), jnp.float32),
            pltpu.VMEM((144,), jnp.int32),
        ],
    )(_sc_body)
    out_flat, tok = k(feats, emb_flat, wt_flat, fc_b)
    return out_flat.reshape(1, n_out, EMB), tok.reshape(1, n_out)

# --- scband reference (transcript-rebuilt; emitter-appended) ---
"""Pipeline reference for scband-token-embedding-80041010528313 (READ-ONLY COPY).

The authoritative reference and input builder live on the scoring server;
editing this copy changes nothing except your own understanding.
"""

import jax, jax.numpy as jnp
import numpy as np

PAD_IDX = 1
BOS_IDX = 2
EOS_IDX = 3
AIR_IDX = 4
LINS_IDX = 5
VOCAB = 100000
EMB = 48
B = 4
S = 4096
FEAT = 12


def setup_inputs(seed: int = 0) -> dict:
    key = jax.random.key(seed)
    k1, k2, k3 = jax.random.split(key, 3)
    features = jax.random.normal(k1, (B, S, FEAT), dtype=jnp.float32)
    embedding = jax.random.normal(k2, (VOCAB, EMB), dtype=jnp.float32) * 0.02
    fc_w = jax.random.normal(k3, (EMB, FEAT), dtype=jnp.float32) * (1.0 / np.sqrt(FEAT))
    fc_b = jnp.zeros((EMB,), dtype=jnp.float32)
    return {"features": features, "embedding": embedding, "fc_w": fc_w, "fc_b": fc_b}


def reference(features, embedding, fc_w, fc_b):
    Bn, Sn, Fn = features.shape
    # tokens = tensor_transform([AIR_IDX if x % 2 else LINS_IDX for x in range(S)]) then collate -> [1, S+2]
    pattern = jnp.where(jnp.arange(Sn) % 2 == 1, AIR_IDX, LINS_IDX).astype(jnp.int32)
    tokens = jnp.concatenate([
        jnp.array([BOS_IDX], dtype=jnp.int32),
        pattern,
        jnp.array([EOS_IDX], dtype=jnp.int32),
    ])[None, :]  # [1, S+2]
    # embedding lookup scaled by sqrt(emb_size)
    embeddings = jnp.take(embedding, tokens, axis=0) * jnp.sqrt(jnp.float32(EMB))  # [1, S+2, EMB]
    # torch loop runs over embeddings.shape[0] == 1, so only features[0] is used
    feature = features[0]  # [S, FEAT], len(shape) == 2 branch
    proj = feature @ fc_w.T + fc_b  # [S, EMB]
    embeddings = embeddings.at[:, 1:1 + Sn, :].add(proj[None, :, :].reshape(1, -1, EMB))
    return embeddings, tokens

if __name__ == "__main__":
    import jax
    _d = setup_inputs()
    print(jax.jit(kernel)(*tuple(_d.values())))

</pallas_src>

<mosaic_0001>
#map = affine_map<(d0, d1) -> (0)>
module attributes {stable_mosaic.version = 14 : i64} {
  func.func @_sc_body(%arg0: i32, %arg1: i32, %arg2: memref<49152xf32, #tpu.memory_space<hbm>>, %arg3: memref<4800000xf32, #tpu.memory_space<hbm>>, %arg4: memref<576xf32, #tpu.memory_space<hbm>>, %arg5: memref<48xf32, #tpu.memory_space<hbm>>, %arg6: memref<196704xf32, #tpu.memory_space<hbm>>, %arg7: memref<4098xi32, #tpu.memory_space<hbm>>, %arg8: memref<1552xf32, #tpu.memory_space<vmem>>, %arg9: memref<6240xf32, #tpu.memory_space<vmem>>, %arg10: memref<192xf32, #tpu.memory_space<vmem>>, %arg11: memref<96xf32, #tpu.memory_space<vmem>>, %arg12: memref<576xf32, #tpu.memory_space<vmem>>, %arg13: memref<48xf32, #tpu.memory_space<vmem>>, %arg14: memref<144xi32, #tpu.memory_space<vmem>>) attributes {dimension_semantics = [#tpu.dimension_semantics<core_parallel>, #tpu.dimension_semantics<subcore_parallel>], iteration_bounds = array<i64: 2, 16>, scalar_prefetch = 0 : i64, scratch_operands = 7 : i64, tpu.core_type = #tpu.core_type<sc_vector_subcore>, window_params = [{transform_indices = #map}, {transform_indices = #map}, {transform_indices = #map}, {transform_indices = #map}, {transform_indices = #map}, {transform_indices = #map}]} {
    %mul3A = arith.constant 2 : i32
    %mul3A_0 = arith.muli %arg1, %mul3A : i32
    %add3A = arith.addi %mul3A_0, %arg0 : i32
    %mul3A_1 = arith.constant 128 : i32
    %mul3A_2 = arith.muli %add3A, %mul3A_1 : i32
    %iota3A = tpu.iota {dimensions = array<i32: 0>} : vector<16xi32>
    %mul3A_3 = arith.constant 12 : i32
    %mul3A_4 = arith.muli %mul3A_3, %mul3A_2 : i32
    %sub3A = arith.constant 16 : i32
    %sub3A_5 = arith.subi %mul3A_4, %sub3A : i32
    %max3A = arith.constant 0 : i32
    %max3A_6 = arith.maxsi %sub3A_5, %max3A : i32
    %multiple_of3A = tpu.assume_multiple %max3A_6, 8 : i32
    "tpu.region"() ({
      %run_scoped3A = tpu.sem_alloc : memref<!tpu.dma_semaphore, #tpu.memory_space<semaphore_mem>>
      %dma_start3A = tpu.memref_slice %arg2[%multiple_of3A] : memref<49152xf32, #tpu.memory_space<hbm>> -> memref<1552xf32, #tpu.memory_space<hbm>>
      %dma_start3A_148 = tpu.memref_slice %arg2[%multiple_of3A] : memref<49152xf32, #tpu.memory_space<hbm>> -> memref<1552xf32, #tpu.memory_space<hbm>>
      tpu.enqueue_dma source(%dma_start3A_148 : memref<1552xf32, #tpu.memory_space<hbm>>) target(%arg8 : memref<1552xf32, #tpu.memory_space<vmem>>) target_semaphore(%run_scoped3A : memref<!tpu.dma_semaphore, #tpu.memory_space<semaphore_mem>>)
      %dma_wait3A = tpu.memref_slice %arg2[%multiple_of3A] : memref<49152xf32, #tpu.memory_space<hbm>> -> memref<1552xf32, #tpu.memory_space<hbm>>
      %dma_wait3A_149 = tpu.memref_slice %arg2[%multiple_of3A] : memref<49152xf32, #tpu.memory_space<hbm>> -> memref<1552xf32, #tpu.memory_space<hbm>>
      tpu.wait_dma2 semaphore(%run_scoped3A : memref<!tpu.dma_semaphore, #tpu.memory_space<semaphore_mem>>) src(%dma_wait3A_149 : memref<1552xf32, #tpu.memory_space<hbm>>) dst(%arg8 : memref<1552xf32, #tpu.memory_space<vmem>>)
      tpu.yield
    }) : () -> ()
    "tpu.region"() ({
      %run_scoped3A = tpu.sem_alloc : memref<!tpu.dma_semaphore, #tpu.memory_space<semaphore_mem>>
      %dma_start3A = arith.constant 96 : i32
      %dma_start3A_148 = tpu.memref_slice %arg3[%dma_start3A] : memref<4800000xf32, #tpu.memory_space<hbm>> -> memref<192xf32, #tpu.memory_space<hbm>>
      %dma_start3A_149 = arith.constant 96 : i32
      %dma_start3A_150 = tpu.memref_slice %arg3[%dma_start3A_149] : memref<4800000xf32, #tpu.memory_space<hbm>> -> memref<192xf32, #tpu.memory_space<hbm>>
      tpu.enqueue_dma source(%dma_start3A_150 : memref<192xf32, #tpu.memory_space<hbm>>) target(%arg10 : memref<192xf32, #tpu.memory_space<vmem>>) target_semaphore(%run_scoped3A : memref<!tpu.dma_semaphore, #tpu.memory_space<semaphore_mem>>)
      %dma_wait3A = arith.constant 96 : i32
      %dma_wait3A_151 = tpu.memref_slice %arg3[%dma_wait3A] : memref<4800000xf32, #tpu.memory_space<hbm>> -> memref<192xf32, #tpu.memory_space<hbm>>
      %dma_wait3A_152 = arith.constant 96 : i32
      %dma_wait3A_153 = tpu.memref_slice %arg3[%dma_wait3A_152] : memref<4800000xf32, #tpu.memory_space<hbm>> -> memref<192xf32, #tpu.memory_space<hbm>>
      tpu.wait_dma2 semaphore(%run_scoped3A : memref<!tpu.dma_semaphore, #tpu.memory_space<semaphore_mem>>) src(%dma_wait3A_153 : memref<192xf32, #tpu.memory_space<hbm>>) dst(%arg10 : memref<192xf32, #tpu.memory_space<vmem>>)
      tpu.yield
    }) : () -> ()
    "tpu.region"() ({
      %run_scoped3A = tpu.sem_alloc : memref<!tpu.dma_semaphore, #tpu.memory_space<semaphore_mem>>
      %dma_start3A = arith.constant 0 : i32
      %dma_start3A_148 = tpu.memref_slice %arg4[%dma_start3A] : memref<576xf32, #tpu.memory_space<hbm>> -> memref<576xf32, #tpu.memory_space<hbm>>
      %dma_start3A_149 = arith.constant 0 : i32
      %dma_start3A_150 = tpu.memref_slice %arg4[%dma_start3A_149] : memref<576xf32, #tpu.memory_space<hbm>> -> memref<576xf32, #tpu.memory_space<hbm>>
      tpu.enqueue_dma source(%dma_start3A_150 : memref<576xf32, #tpu.memory_space<hbm>>) target(%arg12 : memref<576xf32, #tpu.memory_space<vmem>>) target_semaphore(%run_scoped3A : memref<!tpu.dma_semaphore, #tpu.memory_space<semaphore_mem>>)
      %dma_wait3A = arith.constant 0 : i32
      %dma_wait3A_151 = tpu.memref_slice %arg4[%dma_wait3A] : memref<576xf32, #tpu.memory_space<hbm>> -> memref<576xf32, #tpu.memory_space<hbm>>
      %dma_wait3A_152 = arith.constant 0 : i32
      %dma_wait3A_153 = tpu.memref_slice %arg4[%dma_wait3A_152] : memref<576xf32, #tpu.memory_space<hbm>> -> memref<576xf32, #tpu.memory_space<hbm>>
      tpu.wait_dma2 semaphore(%run_scoped3A : memref<!tpu.dma_semaphore, #tpu.memory_space<semaphore_mem>>) src(%dma_wait3A_153 : memref<576xf32, #tpu.memory_space<hbm>>) dst(%arg12 : memref<576xf32, #tpu.memory_space<vmem>>)
      tpu.yield
    }) : () -> ()
    "tpu.region"() ({
      %run_scoped3A = tpu.sem_alloc : memref<!tpu.dma_semaphore, #tpu.memory_space<semaphore_mem>>
      %dma_start3A = arith.constant 0 : i32
      %dma_start3A_148 = tpu.memref_slice %arg5[%dma_start3A] : memref<48xf32, #tpu.memory_space<hbm>> -> memref<48xf32, #tpu.memory_space<hbm>>
      %dma_start3A_149 = arith.constant 0 : i32
      %dma_start3A_150 = tpu.memref_slice %arg5[%dma_start3A_149] : memref<48xf32, #tpu.memory_space<hbm>> -> memref<48xf32, #tpu.memory_space<hbm>>
      tpu.enqueue_dma source(%dma_start3A_150 : memref<48xf32, #tpu.memory_space<hbm>>) target(%arg13 : memref<48xf32, #tpu.memory_space<vmem>>) target_semaphore(%run_scoped3A : memref<!tpu.dma_semaphore, #tpu.memory_space<semaphore_mem>>)
      %dma_wait3A = arith.constant 0 : i32
      %dma_wait3A_151 = tpu.memref_slice %arg5[%dma_wait3A] : memref<48xf32, #tpu.memory_space<hbm>> -> memref<48xf32, #tpu.memory_space<hbm>>
      %dma_wait3A_152 = arith.constant 0 : i32
      %dma_wait3A_153 = tpu.memref_slice %arg5[%dma_wait3A_152] : memref<48xf32, #tpu.memory_space<hbm>> -> memref<48xf32, #tpu.memory_space<hbm>>
      tpu.wait_dma2 semaphore(%run_scoped3A : memref<!tpu.dma_semaphore, #tpu.memory_space<semaphore_mem>>) src(%dma_wait3A_153 : memref<48xf32, #tpu.memory_space<hbm>>) dst(%arg13 : memref<48xf32, #tpu.memory_space<vmem>>)
      tpu.yield
    }) : () -> ()
    %get3A = arith.constant 0 : index
    %get3A_7 = tpu.vector_load %arg13[%get3A] {strides = array<i32>} : memref<48xf32, #tpu.memory_space<vmem>>, vector<16xf32>,
    %get3A_8 = arith.constant 96 : index
    %get3A_9 = tpu.vector_load %arg10[%get3A_8] {strides = array<i32>} : memref<192xf32, #tpu.memory_space<vmem>>, vector<16xf32>,
    %mul3A_10 = arith.constant 6.92820311 : f32
    %mul3A_11 = vector.broadcast %mul3A_10 : f32 to vector<16xf32>
    %mul3A_12 = arith.mulf %get3A_9, %mul3A_11 : vector<16xf32>
    %add3A_13 = arith.addf %mul3A_12, %get3A_7 : vector<16xf32>
    %swap3A = arith.constant 0 : index
    %swap3A_14 = tpu.vector_load %arg11[%swap3A] {strides = array<i32>} : memref<96xf32, #tpu.memory_space<vmem>>, vector<16xf32>,
    tpu.vector_store %arg11[%swap3A], %add3A_13 {strides = array<i32>} : memref<96xf32, #tpu.memory_space<vmem>>, vector<16xf32>,
    %get3A_15 = arith.constant 144 : index
    %get3A_16 = tpu.vector_load %arg10[%get3A_15] {strides = array<i32>} : memref<192xf32, #tpu.memory_space<vmem>>, vector<16xf32>,
    %mul3A_17 = arith.constant 6.92820311 : f32
    %mul3A_18 = vector.broadcast %mul3A_17 : f32 to vector<16xf32>
    %mul3A_19 = arith.mulf %get3A_16, %mul3A_18 : vector<16xf32>
    %add3A_20 = arith.addf %mul3A_19, %get3A_7 : vector<16xf32>
    %swap3A_21 = arith.constant 48 : index
    %swap3A_22 = tpu.vector_load %arg11[%swap3A_21] {strides = array<i32>} : memref<96xf32, #tpu.memory_space<vmem>>, vector<16xf32>,
    tpu.vector_store %arg11[%swap3A_21], %add3A_20 {strides = array<i32>} : memref<96xf32, #tpu.memory_space<vmem>>, vector<16xf32>,
    %get3A_23 = arith.constant 16 : index
    %get3A_24 = tpu.vector_load %arg13[%get3A_23] {strides = array<i32>} : memref<48xf32, #tpu.memory_space<vmem>>, vector<16xf32>,
    %get3A_25 = arith.constant 112 : index
    %get3A_26 = tpu.vector_load %arg10[%get3A_25] {strides = array<i32>} : memref<192xf32, #tpu.memory_space<vmem>>, vector<16xf32>,
    %mul3A_27 = arith.constant 6.92820311 : f32
    %mul3A_28 = vector.broadcast %mul3A_27 : f32 to vector<16xf32>
    %mul3A_29 = arith.mulf %get3A_26, %mul3A_28 : vector<16xf32>
    %add3A_30 = arith.addf %mul3A_29, %get3A_24 : vector<16xf32>
    %swap3A_31 = arith.constant 16 : index
    %swap3A_32 = tpu.vector_load %arg11[%swap3A_31] {strides = array<i32>} : memref<96xf32, #tpu.memory_space<vmem>>, vector<16xf32>,
    tpu.vector_store %arg11[%swap3A_31], %add3A_30 {strides = array<i32>} : memref<96xf32, #tpu.memory_space<vmem>>, vector<16xf32>,
    %get3A_33 = arith.constant 160 : index
    %get3A_34 = tpu.vector_load %arg10[%get3A_33] {strides = array<i32>} : memref<192xf32, #tpu.memory_space<vmem>>, vector<16xf32>,
    %mul3A_35 = arith.constant 6.92820311 : f32
    %mul3A_36 = vector.broadcast %mul3A_35 : f32 to vector<16xf32>
    %mul3A_37 = arith.mulf %get3A_34, %mul3A_36 : vector<16xf32>
    %add3A_38 = arith.addf %mul3A_37, %get3A_24 : vector<16xf32>
    %swap3A_39 = arith.constant 64 : index
    %swap3A_40 = tpu.vector_load %arg11[%swap3A_39] {strides = array<i32>} : memref<96xf32, #tpu.memory_space<vmem>>, vector<16xf32>,
    tpu.vector_store %arg11[%swap3A_39], %add3A_38 {strides = array<i32>} : memref<96xf32, #tpu.memory_space<vmem>>, vector<16xf32>,
    %get3A_41 = arith.constant 32 : index
    %get3A_42 = tpu.vector_load %arg13[%get3A_41] {strides = array<i32>} : memref<48xf32, #tpu.memory_space<vmem>>, vector<16xf32>,
    %get3A_43 = arith.constant 128 : index
    %get3A_44 = tpu.vector_load %arg10[%get3A_43] {strides = array<i32>} : memref<192xf32, #tpu.memory_space<vmem>>, vector<16xf32>,
    %mul3A_45 = arith.constant 6.92820311 : f32
    %mul3A_46 = vector.broadcast %mul3A_45 : f32 to vector<16xf32>
    %mul3A_47 = arith.mulf %get3A_44, %mul3A_46 : vector<16xf32>
    %add3A_48 = arith.addf %mul3A_47, %get3A_42 : vector<16xf32>
    %swap3A_49 = arith.constant 32 : index
    %swap3A_50 = tpu.vector_load %arg11[%swap3A_49] {strides = array<i32>} : memref<96xf32, #tpu.memory_space<vmem>>, vector<16xf32>,
    tpu.vector_store %arg11[%swap3A_49], %add3A_48 {strides = array<i32>} : memref<96xf32, #tpu.memory_space<vmem>>, vector<16xf32>,
    %get3A_51 = arith.constant 176 : index
    %get3A_52 = tpu.vector_load %arg10[%get3A_51] {strides = array<i32>} : memref<192xf32, #tpu.memory_space<vmem>>, vector<16xf32>,
    %mul3A_53 = arith.constant 6.92820311 : f32
    %mul3A_54 = vector.broadcast %mul3A_53 : f32 to vector<16xf32>
    %mul3A_55 = arith.mulf %get3A_52, %mul3A_54 : vector<16xf32>
    %add3A_56 = arith.addf %mul3A_55, %get3A_42 : vector<16xf32>
    %swap3A_57 = arith.constant 80 : index
    %swap3A_58 = tpu.vector_load %arg11[%swap3A_57] {strides = array<i32>} : memref<96xf32, #tpu.memory_space<vmem>>, vector<16xf32>,
    tpu.vector_store %arg11[%swap3A_57], %add3A_56 {strides = array<i32>} : memref<96xf32, #tpu.memory_space<vmem>>, vector<16xf32>,
    %mul3A_59 = arith.constant 12 : i32
    %mul3A_60 = arith.muli %mul3A_59, %mul3A_2 : i32
    %sub3A_61 = arith.constant 12 : i32
    %sub3A_62 = arith.subi %mul3A_60, %sub3A_61 : i32
    %sub3A_63 = arith.subi %sub3A_62, %multiple_of3A : i32
    %scan3A = arith.constant 0 : i32
    %scan3A_64 = arith.constant 0 : i32
    %scan3A_65 = arith.constant 128 : i32
    %scan3A_66 = arith.addi %scan3A_64, %scan3A_65 : i32
    %scan3A_67 = arith.constant 1 : i32
    scf.for %scan3A_148 = %scan3A_64 to %scan3A_66 step %scan3A_67  : i32 {
      %and3A_149 = arith.constant 1 : i32
      %and3A_150 = arith.andi %scan3A_148, %and3A_149 : i32
      %mul3A_151 = arith.constant 48 : i32
      %mul3A_152 = arith.muli %mul3A_151, %and3A_150 : i32
      %multiple_of3A_153 = tpu.assume_multiple %mul3A_152, 16 : i32
      %mul3A_154 = arith.constant 48 : i32
      %mul3A_155 = arith.muli %mul3A_154, %scan3A_148 : i32
      %multiple_of3A_156 = tpu.assume_multiple %mul3A_155, 16 : i32
      %mul3A_157 = arith.constant 12 : i32
      %mul3A_158 = arith.muli %mul3A_157, %scan3A_148 : i32
      %add3A_159 = arith.addi %mul3A_158, %sub3A_63 : i32
      %add3A_160 = arith.constant 0 : i32
      %add3A_161 = arith.addi %add3A_159, %add3A_160 : i32
      %broadcast_in_dim3A = vector.broadcast %add3A_161 : i32 to vector<16xi32>
      %max3A_162 = arith.constant 0 : i32
      %max3A_163 = vector.broadcast %max3A_162 : i32 to vector<16xi32>
      %max3A_164 = arith.maxsi %broadcast_in_dim3A, %max3A_163 : vector<16xi32>
      %add3A_165 = arith.constant 1 : i32
      %add3A_166 = arith.addi %add3A_159, %add3A_165 : i32
      %broadcast_in_dim3A_167 = vector.broadcast %add3A_166 : i32 to vector<16xi32>
      %max3A_168 = arith.constant 0 : i32
      %max3A_169 = vector.broadcast %max3A_168 : i32 to vector<16xi32>
      %max3A_170 = arith.maxsi %broadcast_in_dim3A_167, %max3A_169 : vector<16xi32>
      %add3A_171 = arith.constant 2 : i32
      %add3A_172 = arith.addi %add3A_159, %add3A_171 : i32
      %broadcast_in_dim3A_173 = vector.broadcast %add3A_172 : i32 to vector<16xi32>
      %max3A_174 = arith.constant 0 : i32
      %max3A_175 = vector.broadcast %max3A_174 : i32 to vector<16xi32>
      %max3A_176 = arith.maxsi %broadcast_in_dim3A_173, %max3A_175 : vector<16xi32>
      %add3A_177 = arith.constant 3 : i32
      %add3A_178 = arith.addi %add3A_159, %add3A_177 : i32
      %broadcast_in_dim3A_179 = vector.broadcast %add3A_178 : i32 to vector<16xi32>
      %max3A_180 = arith.constant 0 : i32
      %max3A_181 = vector.broadcast %max3A_180 : i32 to vector<16xi32>
      %max3A_182 = arith.maxsi %broadcast_in_dim3A_179, %max3A_181 : vector<16xi32>
      %add3A_183 = arith.constant 4 : i32
      %add3A_184 = arith.addi %add3A_159, %add3A_183 : i32
      %broadcast_in_dim3A_185 = vector.broadcast %add3A_184 : i32 to vector<16xi32>
      %max3A_186 = arith.constant 0 : i32
      %max3A_187 = vector.broadcast %max3A_186 : i32 to vector<16xi32>
      %max3A_188 = arith.maxsi %broadcast_in_dim3A_185, %max3A_187 : vector<16xi32>
      %add3A_189 = arith.constant 5 : i32
      %add3A_190 = arith.addi %add3A_159, %add3A_189 : i32
      %broadcast_in_dim3A_191 = vector.broadcast %add3A_190 : i32 to vector<16xi32>
      %max3A_192 = arith.constant 0 : i32
      %max3A_193 = vector.broadcast %max3A_192 : i32 to vector<16xi32>
      %max3A_194 = arith.maxsi %broadcast_in_dim3A_191, %max3A_193 : vector<16xi32>
      %add3A_195 = arith.constant 6 : i32
      %add3A_196 = arith.addi %add3A_159, %add3A_195 : i32
      %broadcast_in_dim3A_197 = vector.broadcast %add3A_196 : i32 to vector<16xi32>
      %max3A_198 = arith.constant 0 : i32
      %max3A_199 = vector.broadcast %max3A_198 : i32 to vector<16xi32>
      %max3A_200 = arith.maxsi %broadcast_in_dim3A_197, %max3A_199 : vector<16xi32>
      %add3A_201 = arith.constant 7 : i32
      %add3A_202 = arith.addi %add3A_159, %add3A_201 : i32
      %broadcast_in_dim3A_203 = vector.broadcast %add3A_202 : i32 to vector<16xi32>
      %max3A_204 = arith.constant 0 : i32
      %max3A_205 = vector.broadcast %max3A_204 : i32 to vector<16xi32>
      %max3A_206 = arith.maxsi %broadcast_in_dim3A_203, %max3A_205 : vector<16xi32>
      %add3A_207 = arith.constant 8 : i32
      %add3A_208 = arith.addi %add3A_159, %add3A_207 : i32
      %broadcast_in_dim3A_209 = vector.broadcast %add3A_208 : i32 to vector<16xi32>
      %max3A_210 = arith.constant 0 : i32
      %max3A_211 = vector.broadcast %max3A_210 : i32 to vector<16xi32>
      %max3A_212 = arith.maxsi %broadcast_in_dim3A_209, %max3A_211 : vector<16xi32>
      %add3A_213 = arith.constant 9 : i32
      %add3A_214 = arith.addi %add3A_159, %add3A_213 : i32
      %broadcast_in_dim3A_215 = vector.broadcast %add3A_214 : i32 to vector<16xi32>
      %max3A_216 = arith.constant 0 : i32
      %max3A_217 = vector.broadcast %max3A_216 : i32 to vector<16xi32>
      %max3A_218 = arith.maxsi %broadcast_in_dim3A_215, %max3A_217 : vector<16xi32>
      %add3A_219 = arith.constant 10 : i32
      %add3A_220 = arith.addi %add3A_159, %add3A_219 : i32
      %broadcast_in_dim3A_221 = vector.broadcast %add3A_220 : i32 to vector<16xi32>
      %max3A_222 = arith.constant 0 : i32
      %max3A_223 = vector.broadcast %max3A_222 : i32 to vector<16xi32>
      %max3A_224 = arith.maxsi %broadcast_in_dim3A_221, %max3A_223 : vector<16xi32>
      %add3A_225 = arith.constant 11 : i32
      %add3A_226 = arith.addi %add3A_159, %add3A_225 : i32
      %broadcast_in_dim3A_227 = vector.broadcast %add3A_226 : i32 to vector<16xi32>
      %max3A_228 = arith.constant 0 : i32
      %max3A_229 = vector.broadcast %max3A_228 : i32 to vector<16xi32>
      %max3A_230 = arith.maxsi %broadcast_in_dim3A_227, %max3A_229 : vector<16xi32>
      %gather3A = tpu.vector_load_idx %arg8[%max3A_164] : memref<1552xf32, #tpu.memory_space<vmem>>[vector<16xi32>], vector<16xf32>,
      %gather3A_231 = tpu.vector_load_idx %arg8[%max3A_170] : memref<1552xf32, #tpu.memory_space<vmem>>[vector<16xi32>], vector<16xf32>,
      %gather3A_232 = tpu.vector_load_idx %arg8[%max3A_176] : memref<1552xf32, #tpu.memory_space<vmem>>[vector<16xi32>], vector<16xf32>,
      %gather3A_233 = tpu.vector_load_idx %arg8[%max3A_182] : memref<1552xf32, #tpu.memory_space<vmem>>[vector<16xi32>], vector<16xf32>,
      %gather3A_234 = tpu.vector_load_idx %arg8[%max3A_188] : memref<1552xf32, #tpu.memory_space<vmem>>[vector<16xi32>], vector<16xf32>,
      %gather3A_235 = tpu.vector_load_idx %arg8[%max3A_194] : memref<1552xf32, #tpu.memory_space<vmem>>[vector<16xi32>], vector<16xf32>,
      %gather3A_236 = tpu.vector_load_idx %arg8[%max3A_200] : memref<1552xf32, #tpu.memory_space<vmem>>[vector<16xi32>], vector<16xf32>,
      %gather3A_237 = tpu.vector_load_idx %arg8[%max3A_206] : memref<1552xf32, #tpu.memory_space<vmem>>[vector<16xi32>], vector<16xf32>,
      %gather3A_238 = tpu.vector_load_idx %arg8[%max3A_212] : memref<1552xf32, #tpu.memory_space<vmem>>[vector<16xi32>], vector<16xf32>,
      %gather3A_239 = tpu.vector_load_idx %arg8[%max3A_218] : memref<1552xf32, #tpu.memory_space<vmem>>[vector<16xi32>], vector<16xf32>,
      %gather3A_240 = tpu.vector_load_idx %arg8[%max3A_224] : memref<1552xf32, #tpu.memory_space<vmem>>[vector<16xi32>], vector<16xf32>,
      %gather3A_241 = tpu.vector_load_idx %arg8[%max3A_230] : memref<1552xf32, #tpu.memory_space<vmem>>[vector<16xi32>], vector<16xf32>,
      %add3A_242 = arith.constant 0 : i32
      %add3A_243 = arith.addi %multiple_of3A_153, %add3A_242 : i32
      %get3A_244 = arith.index_cast %add3A_243 : i32 to index
      %get3A_245 = tpu.vector_load %arg11[%get3A_244] {strides = array<i32>} : memref<96xf32, #tpu.memory_space<vmem>>, vector<16xf32>,
      %get3A_246 = arith.constant 0 : index
      %get3A_247 = tpu.vector_load %arg12[%get3A_246] {strides = array<i32>} : memref<576xf32, #tpu.memory_space<vmem>>, vector<16xf32>,
      %mul3A_248 = arith.mulf %gather3A, %get3A_247 : vector<16xf32>
      %add3A_249 = arith.addf %get3A_245, %mul3A_248 : vector<16xf32>
      %get3A_250 = arith.constant 48 : index
      %get3A_251 = tpu.vector_load %arg12[%get3A_250] {strides = array<i32>} : memref<576xf32, #tpu.memory_space<vmem>>, vector<16xf32>,
      %mul3A_252 = arith.mulf %gather3A_231, %get3A_251 : vector<16xf32>
      %add3A_253 = arith.addf %add3A_249, %mul3A_252 : vector<16xf32>
      %get3A_254 = arith.constant 96 : index
      %get3A_255 = tpu.vector_load %arg12[%get3A_254] {strides = array<i32>} : memref<576xf32, #tpu.memory_space<vmem>>, vector<16xf32>,
      %mul3A_256 = arith.mulf %gather3A_232, %get3A_255 : vector<16xf32>
      %add3A_257 = arith.addf %add3A_253, %mul3A_256 : vector<16xf32>
      %get3A_258 = arith.constant 144 : index
      %get3A_259 = tpu.vector_load %arg12[%get3A_258] {strides = array<i32>} : memref<576xf32, #tpu.memory_space<vmem>>, vector<16xf32>,
      %mul3A_260 = arith.mulf %gather3A_233, %get3A_259 : vector<16xf32>
      %add3A_261 = arith.addf %add3A_257, %mul3A_260 : vector<16xf32>
      %get3A_262 = arith.constant 192 : index
      %get3A_263 = tpu.vector_load %arg12[%get3A_262] {strides = array<i32>} : memref<576xf32, #tpu.memory_space<vmem>>, vector<16xf32>,
      %mul3A_264 = arith.mulf %gather3A_234, %get3A_263 : vector<16xf32>
      %add3A_265 = arith.addf %add3A_261, %mul3A_264 : vector<16xf32>
      %get3A_266 = arith.constant 240 : index
      %get3A_267 = tpu.vector_load %arg12[%get3A_266] {strides = array<i32>} : memref<576xf32, #tpu.memory_space<vmem>>, vector<16xf32>,
      %mul3A_268 = arith.mulf %gather3A_235, %get3A_267 : vector<16xf32>
      %add3A_269 = arith.addf %add3A_265, %mul3A_268 : vector<16xf32>
      %get3A_270 = arith.constant 288 : index
      %get3A_271 = tpu.vector_load %arg12[%get3A_270] {strides = array<i32>} : memref<576xf32, #tpu.memory_space<vmem>>, vector<16xf32>,
      %mul3A_272 = arith.mulf %gather3A_236, %get3A_271 : vector<16xf32>
      %add3A_273 = arith.addf %add3A_269, %mul3A_272 : vector<16xf32>
      %get3A_274 = arith.constant 336 : index
      %get3A_275 = tpu.vector_load %arg12[%get3A_274] {strides = array<i32>} : memref<576xf32, #tpu.memory_space<vmem>>, vector<16xf32>,
      %mul3A_276 = arith.mulf %gather3A_237, %get3A_275 : vector<16xf32>
      %add3A_277 = arith.addf %add3A_273, %mul3A_276 : vector<16xf32>
      %get3A_278 = arith.constant 384 : index
      %get3A_279 = tpu.vector_load %arg12[%get3A_278] {strides = array<i32>} : memref<576xf32, #tpu.memory_space<vmem>>, vector<16xf32>,
      %mul3A_280 = arith.mulf %gather3A_238, %get3A_279 : vector<16xf32>
      %add3A_281 = arith.addf %add3A_277, %mul3A_280 : vector<16xf32>
      %get3A_282 = arith.constant 432 : index
      %get3A_283 = tpu.vector_load %arg12[%get3A_282] {strides = array<i32>} : memref<576xf32, #tpu.memory_space<vmem>>, vector<16xf32>,
      %mul3A_284 = arith.mulf %gather3A_239, %get3A_283 : vector<16xf32>
      %add3A_285 = arith.addf %add3A_281, %mul3A_284 : vector<16xf32>
      %get3A_286 = arith.constant 480 : index
      %get3A_287 = tpu.vector_load %arg12[%get3A_286] {strides = array<i32>} : memref<576xf32, #tpu.memory_space<vmem>>, vector<16xf32>,
      %mul3A_288 = arith.mulf %gather3A_240, %get3A_287 : vector<16xf32>
      %add3A_289 = arith.addf %add3A_285, %mul3A_288 : vector<16xf32>
      %get3A_290 = arith.constant 528 : index
      %get3A_291 = tpu.vector_load %arg12[%get3A_290] {strides = array<i32>} : memref<576xf32, #tpu.memory_space<vmem>>, vector<16xf32>,
      %mul3A_292 = arith.mulf %gather3A_241, %get3A_291 : vector<16xf32>
      %add3A_293 = arith.addf %add3A_289, %mul3A_292 : vector<16xf32>
      %add3A_294 = arith.constant 0 : i32
      %add3A_295 = arith.addi %multiple_of3A_156, %add3A_294 : i32
      %swap3A_296 = arith.index_cast %add3A_295 : i32 to index
      %swap3A_297 = tpu.vector_load %arg9[%swap3A_296] {strides = array<i32>} : memref<6240xf32, #tpu.memory_space<vmem>>, vector<16xf32>,
      tpu.vector_store %arg9[%swap3A_296], %add3A_293 {strides = array<i32>} : memref<6240xf32, #tpu.memory_space<vmem>>, vector<16xf32>,
      %add3A_298 = arith.constant 16 : i32
      %add3A_299 = arith.addi %multiple_of3A_153, %add3A_298 : i32
      %get3A_300 = arith.index_cast %add3A_299 : i32 to index
      %get3A_301 = tpu.vector_load %arg11[%get3A_300] {strides = array<i32>} : memref<96xf32, #tpu.memory_space<vmem>>, vector<16xf32>,
      %get3A_302 = arith.constant 16 : index
      %get3A_303 = tpu.vector_load %arg12[%get3A_302] {strides = array<i32>} : memref<576xf32, #tpu.memory_space<vmem>>, vector<16xf32>,
      %mul3A_304 = arith.mulf %gather3A, %get3A_303 : vector<16xf32>
      %add3A_305 = arith.addf %get3A_301, %mul3A_304 : vector<16xf32>
      %get3A_306 = arith.constant 64 : index
      %get3A_307 = tpu.vector_load %arg12[%get3A_306] {strides = array<i32>} : memref<576xf32, #tpu.memory_space<vmem>>, vector<16xf32>,
      %mul3A_308 = arith.mulf %gather3A_231, %get3A_307 : vector<16xf32>
      %add3A_309 = arith.addf %add3A_305, %mul3A_308 : vector<16xf32>
      %get3A_310 = arith.constant 112 : index
      %get3A_311 = tpu.vector_load %arg12[%get3A_310] {strides = array<i32>} : memref<576xf32, #tpu.memory_space<vmem>>, vector<16xf32>,
      %mul3A_312 = arith.mulf %gather3A_232, %get3A_311 : vector<16xf32>
      %add3A_313 = arith.addf %add3A_309, %mul3A_312 : vector<16xf32>
      %get3A_314 = arith.constant 160 : index
      %get3A_315 = tpu.vector_load %arg12[%get3A_314] {strides = array<i32>} : memref<576xf32, #tpu.memory_space<vmem>>, vector<16xf32>,
      %mul3A_316 = arith.mulf %gather3A_233, %get3A_315 : vector<16xf32>
      %add3A_317 = arith.addf %add3A_313, %mul3A_316 : vector<16xf32>
      %get3A_318 = arith.constant 208 : index
      %get3A_319 = tpu.vector_load %arg12[%get3A_318] {strides = array<i32>} : memref<576xf32, #tpu.memory_space<vmem>>, vector<16xf32>,
      %mul3A_320 = arith.mulf %gather3A_234, %get3A_319 : vector<16xf32>
      %add3A_321 = arith.addf %add3A_317, %mul3A_320 : vector<16xf32>
      %get3A_322 = arith.constant 256 : index
      %get3A_323 = tpu.vector_load %arg12[%get3A_322] {strides = array<i32>} : memref<576xf32, #tpu.memory_space<vmem>>, vector<16xf32>,
      %mul3A_324 = arith.mulf %gather3A_235, %get3A_323 : vector<16xf32>
      %add3A_325 = arith.addf %add3A_321, %mul3A_324 : vector<16xf32>
      %get3A_326 = arith.constant 304 : index
      %get3A_327 = tpu.vector_load %arg12[%get3A_326] {strides = array<i32>} : memref<576xf32, #tpu.memory_space<vmem>>, vector<16xf32>,
      %mul3A_328 = arith.mulf %gather3A_236, %get3A_327 : vector<16xf32>
      %add3A_329 = arith.addf %add3A_325, %mul3A_328 : vector<16xf32>
      %get3A_330 = arith.constant 352 : index
      %get3A_331 = tpu.vector_load %arg12[%get3A_330] {strides = array<i32>} : memref<576xf32, #tpu.memory_space<vmem>>, vector<16xf32>,
      %mul3A_332 = arith.mulf %gather3A_237, %get3A_331 : vector<16xf32>
      %add3A_333 = arith.addf %add3A_329, %mul3A_332 : vector<16xf32>
      %get3A_334 = arith.constant 400 : index
      %get3A_335 = tpu.vector_load %arg12[%get3A_334] {strides = array<i32>} : memref<576xf32, #tpu.memory_space<vmem>>, vector<16xf32>,
      %mul3A_336 = arith.mulf %gather3A_238, %get3A_335 : vector<16xf32>
      %add3A_337 = arith.addf %add3A_333, %mul3A_336 : vector<16xf32>
      %get3A_338 = arith.constant 448 : index
      %get3A_339 = tpu.vector_load %arg12[%get3A_338] {strides = array<i32>} : memref<576xf32, #tpu.memory_space<vmem>>, vector<16xf32>,
      %mul3A_340 = arith.mulf %gather3A_239, %get3A_339 : vector<16xf32>
      %add3A_341 = arith.addf %add3A_337, %mul3A_340 : vector<16xf32>
      %get3A_342 = arith.constant 496 : index
      %get3A_343 = tpu.vector_load %arg12[%get3A_342] {strides = array<i32>} : memref<576xf32, #tpu.memory_space<vmem>>, vector<16xf32>,
      %mul3A_344 = arith.mulf %gather3A_240, %get3A_343 : vector<16xf32>
      %add3A_345 = arith.addf %add3A_341, %mul3A_344 : vector<16xf32>
      %get3A_346 = arith.constant 544 : index
      %get3A_347 = tpu.vector_load %arg12[%get3A_346] {strides = array<i32>} : memref<576xf32, #tpu.memory_space<vmem>>, vector<16xf32>,
      %mul3A_348 = arith.mulf %gather3A_241, %get3A_347 : vector<16xf32>
      %add3A_349 = arith.addf %add3A_345, %mul3A_348 : vector<16xf32>
      %add3A_350 = arith.constant 16 : i32
      %add3A_351 = arith.addi %multiple_of3A_156, %add3A_350 : i32
      %swap3A_352 = arith.index_cast %add3A_351 : i32 to index
      %swap3A_353 = tpu.vector_load %arg9[%swap3A_352] {strides = array<i32>} : memref<6240xf32, #tpu.memory_space<vmem>>, vector<16xf32>,
      tpu.vector_store %arg9[%swap3A_352], %add3A_349 {strides = array<i32>} : memref<6240xf32, #tpu.memory_space<vmem>>, vector<16xf32>,
      %add3A_354 = arith.constant 32 : i32
      %add3A_355 = arith.addi %multiple_of3A_153, %add3A_354 : i32
      %get3A_356 = arith.index_cast %add3A_355 : i32 to index
      %get3A_357 = tpu.vector_load %arg11[%get3A_356] {strides = array<i32>} : memref<96xf32, #tpu.memory_space<vmem>>, vector<16xf32>,
      %get3A_358 = arith.constant 32 : index
      %get3A_359 = tpu.vector_load %arg12[%get3A_358] {strides = array<i32>} : memref<576xf32, #tpu.memory_space<vmem>>, vector<16xf32>,
      %mul3A_360 = arith.mulf %gather3A, %get3A_359 : vector<16xf32>
      %add3A_361 = arith.addf %get3A_357, %mul3A_360 : vector<16xf32>
      %get3A_362 = arith.constant 80 : index
      %get3A_363 = tpu.vector_load %arg12[%get3A_362] {strides = array<i32>} : memref<576xf32, #tpu.memory_space<vmem>>, vector<16xf32>,
      %mul3A_364 = arith.mulf %gather3A_231, %get3A_363 : vector<16xf32>
      %add3A_365 = arith.addf %add3A_361, %mul3A_364 : vector<16xf32>
      %get3A_366 = arith.constant 128 : index
      %get3A_367 = tpu.vector_load %arg12[%get3A_366] {strides = array<i32>} : memref<576xf32, #tpu.memory_space<vmem>>, vector<16xf32>,
      %mul3A_368 = arith.mulf %gather3A_232, %get3A_367 : vector<16xf32>
      %add3A_369 = arith.addf %add3A_365, %mul3A_368 : vector<16xf32>
      %get3A_370 = arith.constant 176 : index
      %get3A_371 = tpu.vector_load %arg12[%get3A_370] {strides = array<i32>} : memref<576xf32, #tpu.memory_space<vmem>>, vector<16xf32>,
      %mul3A_372 = arith.mulf %gather3A_233, %get3A_371 : vector<16xf32>
      %add3A_373 = arith.addf %add3A_369, %mul3A_372 : vector<16xf32>
      %get3A_374 = arith.constant 224 : index
      %get3A_375 = tpu.vector_load %arg12[%get3A_374] {strides = array<i32>} : memref<576xf32, #tpu.memory_space<vmem>>, vector<16xf32>,
      %mul3A_376 = arith.mulf %gather3A_234, %get3A_375 : vector<16xf32>
      %add3A_377 = arith.addf %add3A_373, %mul3A_376 : vector<16xf32>
      %get3A_378 = arith.constant 272 : index
      %get3A_379 = tpu.vector_load %arg12[%get3A_378] {strides = array<i32>} : memref<576xf32, #tpu.memory_space<vmem>>, vector<16xf32>,
      %mul3A_380 = arith.mulf %gather3A_235, %get3A_379 : vector<16xf32>
      %add3A_381 = arith.addf %add3A_377, %mul3A_380 : vector<16xf32>
      %get3A_382 = arith.constant 320 : index
      %get3A_383 = tpu.vector_load %arg12[%get3A_382] {strides = array<i32>} : memref<576xf32, #tpu.memory_space<vmem>>, vector<16xf32>,
      %mul3A_384 = arith.mulf %gather3A_236, %get3A_383 : vector<16xf32>
      %add3A_385 = arith.addf %add3A_381, %mul3A_384 : vector<16xf32>
      %get3A_386 = arith.constant 368 : index
      %get3A_387 = tpu.vector_load %arg12[%get3A_386] {strides = array<i32>} : memref<576xf32, #tpu.memory_space<vmem>>, vector<16xf32>,
      %mul3A_388 = arith.mulf %gather3A_237, %get3A_387 : vector<16xf32>
      %add3A_389 = arith.addf %add3A_385, %mul3A_388 : vector<16xf32>
      %get3A_390 = arith.constant 416 : index
      %get3A_391 = tpu.vector_load %arg12[%get3A_390] {strides = array<i32>} : memref<576xf32, #tpu.memory_space<vmem>>, vector<16xf32>,
      %mul3A_392 = arith.mulf %gather3A_238, %get3A_391 : vector<16xf32>
      %add3A_393 = arith.addf %add3A_389, %mul3A_392 : vector<16xf32>
      %get3A_394 = arith.constant 464 : index
      %get3A_395 = tpu.vector_load %arg12[%get3A_394] {strides = array<i32>} : memref<576xf32, #tpu.memory_space<vmem>>, vector<16xf32>,
      %mul3A_396 = arith.mulf %gather3A_239, %get3A_395 : vector<16xf32>
      %add3A_397 = arith.addf %add3A_393, %mul3A_396 : vector<16xf32>
      %get3A_398 = arith.constant 512 : index
      %get3A_399 = tpu.vector_load %arg12[%get3A_398] {strides = array<i32>} : memref<576xf32, #tpu.memory_space<vmem>>, vector<16xf32>,
      %mul3A_400 = arith.mulf %gather3A_240, %get3A_399 : vector<16xf32>
      %add3A_401 = arith.addf %add3A_397, %mul3A_400 : vector<16xf32>
      %get3A_402 = arith.constant 560 : index
      %get3A_403 = tpu.vector_load %arg12[%get3A_402] {strides = array<i32>} : memref<576xf32, #tpu.memory_space<vmem>>, vector<16xf32>,
      %mul3A_404 = arith.mulf %gather3A_241, %get3A_403 : vector<16xf32>
      %add3A_405 = arith.addf %add3A_401, %mul3A_404 : vector<16xf32>
      %add3A_406 = arith.constant 32 : i32
      %add3A_407 = arith.addi %multiple_of3A_156, %add3A_406 : i32
      %swap3A_408 = arith.index_cast %add3A_407 : i32 to index
      %swap3A_409 = tpu.vector_load %arg9[%swap3A_408] {strides = array<i32>} : memref<6240xf32, #tpu.memory_space<vmem>>, vector<16xf32>,
      tpu.vector_store %arg9[%swap3A_408], %add3A_405 {strides = array<i32>} : memref<6240xf32, #tpu.memory_space<vmem>>, vector<16xf32>,
    }
    %scan3A_68 = arith.constant 128 : i32
    %and3A = arith.constant 1 : i32
    %and3A_69 = vector.broadcast %and3A : i32 to vector<16xi32>
    %and3A_70 = arith.andi %iota3A, %and3A_69 : vector<16xi32>
    %add3A_71 = arith.constant 4 : i32
    %add3A_72 = vector.broadcast %add3A_71 : i32 to vector<16xi32>
    %add3A_73 = arith.addi %add3A_72, %and3A_70 : vector<16xi32>
    %swap3A_74 = arith.constant 0 : index
    %swap3A_75 = tpu.vector_load %arg14[%swap3A_74] {strides = array<i32>} : memref<144xi32, #tpu.memory_space<vmem>>, vector<16xi32>,
    tpu.vector_store %arg14[%swap3A_74], %add3A_73 {strides = array<i32>} : memref<144xi32, #tpu.memory_space<vmem>>, vector<16xi32>,
    %and3A_76 = arith.constant 1 : i32
    %and3A_77 = vector.broadcast %and3A_76 : i32 to vector<16xi32>
    %and3A_78 = arith.andi %iota3A, %and3A_77 : vector<16xi32>
    %add3A_79 = arith.constant 4 : i32
    %add3A_80 = vector.broadcast %add3A_79 : i32 to vector<16xi32>
    %add3A_81 = arith.addi %add3A_80, %and3A_78 : vector<16xi32>
    %swap3A_82 = arith.constant 16 : index
    %swap3A_83 = tpu.vector_load %arg14[%swap3A_82] {strides = array<i32>} : memref<144xi32, #tpu.memory_space<vmem>>, vector<16xi32>,
    tpu.vector_store %arg14[%swap3A_82], %add3A_81 {strides = array<i32>} : memref<144xi32, #tpu.memory_space<vmem>>, vector<16xi32>,
    %and3A_84 = arith.constant 1 : i32
    %and3A_85 = vector.broadcast %and3A_84 : i32 to vector<16xi32>
    %and3A_86 = arith.andi %iota3A, %and3A_85 : vector<16xi32>
    %add3A_87 = arith.constant 4 : i32
    %add3A_88 = vector.broadcast %add3A_87 : i32 to vector<16xi32>
    %add3A_89 = arith.addi %add3A_88, %and3A_86 : vector<16xi32>
    %swap3A_90 = arith.constant 32 : index
    %swap3A_91 = tpu.vector_load %arg14[%swap3A_90] {strides = array<i32>} : memref<144xi32, #tpu.memory_space<vmem>>, vector<16xi32>,
    tpu.vector_store %arg14[%swap3A_90], %add3A_89 {strides = array<i32>} : memref<144xi32, #tpu.memory_space<vmem>>, vector<16xi32>,
    %and3A_92 = arith.constant 1 : i32
    %and3A_93 = vector.broadcast %and3A_92 : i32 to vector<16xi32>
    %and3A_94 = arith.andi %iota3A, %and3A_93 : vector<16xi32>
    %add3A_95 = arith.constant 4 : i32
    %add3A_96 = vector.broadcast %add3A_95 : i32 to vector<16xi32>
    %add3A_97 = arith.addi %add3A_96, %and3A_94 : vector<16xi32>
    %swap3A_98 = arith.constant 48 : index
    %swap3A_99 = tpu.vector_load %arg14[%swap3A_98] {strides = array<i32>} : memref<144xi32, #tpu.memory_space<vmem>>, vector<16xi32>,
    tpu.vector_store %arg14[%swap3A_98], %add3A_97 {strides = array<i32>} : memref<144xi32, #tpu.memory_space<vmem>>, vector<16xi32>,
    %and3A_100 = arith.constant 1 : i32
    %and3A_101 = vector.broadcast %and3A_100 : i32 to vector<16xi32>
    %and3A_102 = arith.andi %iota3A, %and3A_101 : vector<16xi32>
    %add3A_103 = arith.constant 4 : i32
    %add3A_104 = vector.broadcast %add3A_103 : i32 to vector<16xi32>
    %add3A_105 = arith.addi %add3A_104, %and3A_102 : vector<16xi32>
    %swap3A_106 = arith.constant 64 : index
    %swap3A_107 = tpu.vector_load %arg14[%swap3A_106] {strides = array<i32>} : memref<144xi32, #tpu.memory_space<vmem>>, vector<16xi32>,
    tpu.vector_store %arg14[%swap3A_106], %add3A_105 {strides = array<i32>} : memref<144xi32, #tpu.memory_space<vmem>>, vector<16xi32>,
    %and3A_108 = arith.constant 1 : i32
    %and3A_109 = vector.broadcast %and3A_108 : i32 to vector<16xi32>
    %and3A_110 = arith.andi %iota3A, %and3A_109 : vector<16xi32>
    %add3A_111 = arith.constant 4 : i32
    %add3A_112 = vector.broadcast %add3A_111 : i32 to vector<16xi32>
    %add3A_113 = arith.addi %add3A_112, %and3A_110 : vector<16xi32>
    %swap3A_114 = arith.constant 80 : index
    %swap3A_115 = tpu.vector_load %arg14[%swap3A_114] {strides = array<i32>} : memref<144xi32, #tpu.memory_space<vmem>>, vector<16xi32>,
    tpu.vector_store %arg14[%swap3A_114], %add3A_113 {strides = array<i32>} : memref<144xi32, #tpu.memory_space<vmem>>, vector<16xi32>,
    %and3A_116 = arith.constant 1 : i32
    %and3A_117 = vector.broadcast %and3A_116 : i32 to vector<16xi32>
    %and3A_118 = arith.andi %iota3A, %and3A_117 : vector<16xi32>
    %add3A_119 = arith.constant 4 : i32
    %add3A_120 = vector.broadcast %add3A_119 : i32 to vector<16xi32>
    %add3A_121 = arith.addi %add3A_120, %and3A_118 : vector<16xi32>
    %swap3A_122 = arith.constant 96 : index
    %swap3A_123 = tpu.vector_load %arg14[%swap3A_122] {strides = array<i32>} : memref<144xi32, #tpu.memory_space<vmem>>, vector<16xi32>,
    tpu.vector_store %arg14[%swap3A_122], %add3A_121 {strides = array<i32>} : memref<144xi32, #tpu.memory_space<vmem>>, vector<16xi32>,
    %and3A_124 = arith.constant 1 : i32
    %and3A_125 = vector.broadcast %and3A_124 : i32 to vector<16xi32>
    %and3A_126 = arith.andi %iota3A, %and3A_125 : vector<16xi32>
    %add3A_127 = arith.constant 4 : i32
    %add3A_128 = vector.broadcast %add3A_127 : i32 to vector<16xi32>
    %add3A_129 = arith.addi %add3A_128, %and3A_126 : vector<16xi32>
    %swap3A_130 = arith.constant 112 : index
    %swap3A_131 = tpu.vector_load %arg14[%swap3A_130] {strides = array<i32>} : memref<144xi32, #tpu.memory_space<vmem>>, vector<16xi32>,
    tpu.vector_store %arg14[%swap3A_130], %add3A_129 {strides = array<i32>} : memref<144xi32, #tpu.memory_space<vmem>>, vector<16xi32>,
    %eq3A = arith.constant 0 : i32
    %eq3A_132 = arith.cmpi eq, %add3A, %eq3A : i32
    %convert_element_type3A = arith.extui %eq3A_132 : i1 to i32
    %cond3A = arith.constant 0 : i32
    %cond3A_133 = arith.cmpi ne, %convert_element_type3A, %cond3A : i32
    scf.if %cond3A_133 {
      %get3A_148 = arith.constant 0 : index
      %get3A_149 = tpu.vector_load %arg10[%get3A_148] {strides = array<i32>} : memref<192xf32, #tpu.memory_space<vmem>>, vector<16xf32>,
      %mul3A_150 = arith.constant 6.92820311 : f32
      %mul3A_151 = vector.broadcast %mul3A_150 : f32 to vector<16xf32>
      %mul3A_152 = arith.mulf %get3A_149, %mul3A_151 : vector<16xf32>
      %swap3A_153 = arith.constant 0 : index
      %swap3A_154 = tpu.vector_load %arg9[%swap3A_153] {strides = array<i32>} : memref<6240xf32, #tpu.memory_space<vmem>>, vector<16xf32>,
      tpu.vector_store %arg9[%swap3A_153], %mul3A_152 {strides = array<i32>} : memref<6240xf32, #tpu.memory_space<vmem>>, vector<16xf32>,
      %get3A_155 = arith.constant 16 : index
      %get3A_156 = tpu.vector_load %arg10[%get3A_155] {strides = array<i32>} : memref<192xf32, #tpu.memory_space<vmem>>, vector<16xf32>,
      %mul3A_157 = arith.constant 6.92820311 : f32
      %mul3A_158 = vector.broadcast %mul3A_157 : f32 to vector<16xf32>
      %mul3A_159 = arith.mulf %get3A_156, %mul3A_158 : vector<16xf32>
      %swap3A_160 = arith.constant 16 : index
      %swap3A_161 = tpu.vector_load %arg9[%swap3A_160] {strides = array<i32>} : memref<6240xf32, #tpu.memory_space<vmem>>, vector<16xf32>,
      tpu.vector_store %arg9[%swap3A_160], %mul3A_159 {strides = array<i32>} : memref<6240xf32, #tpu.memory_space<vmem>>, vector<16xf32>,
      %get3A_162 = arith.constant 32 : index
      %get3A_163 = tpu.vector_load %arg10[%get3A_162] {strides = array<i32>} : memref<192xf32, #tpu.memory_space<vmem>>, vector<16xf32>,
      %mul3A_164 = arith.constant 6.92820311 : f32
      %mul3A_165 = vector.broadcast %mul3A_164 : f32 to vector<16xf32>
      %mul3A_166 = arith.mulf %get3A_163, %mul3A_165 : vector<16xf32>
      %swap3A_167 = arith.constant 32 : index
      %swap3A_168 = tpu.vector_load %arg9[%swap3A_167] {strides = array<i32>} : memref<6240xf32, #tpu.memory_space<vmem>>, vector<16xf32>,
      tpu.vector_store %arg9[%swap3A_167], %mul3A_166 {strides = array<i32>} : memref<6240xf32, #tpu.memory_space<vmem>>, vector<16xf32>,
      %eq3A_169 = arith.constant 0 : i32
      %eq3A_170 = vector.broadcast %eq3A_169 : i32 to vector<16xi32>
      %eq3A_171 = arith.cmpi eq, %iota3A, %eq3A_170 : vector<16xi32>
      %and3A_172 = arith.constant 1 : i32
      %and3A_173 = vector.broadcast %and3A_172 : i32 to vector<16xi32>
      %and3A_174 = arith.andi %iota3A, %and3A_173 : vector<16xi32>
      %add3A_175 = arith.constant 4 : i32
      %add3A_176 = vector.broadcast %add3A_175 : i32 to vector<16xi32>
      %add3A_177 = arith.addi %add3A_176, %and3A_174 : vector<16xi32>
      %jit3A = arith.constant 2 : i32
      %broadcast_in_dim3A = vector.broadcast %jit3A : i32 to vector<16xi32>
      %select_n3A = arith.select %eq3A_171, %broadcast_in_dim3A, %add3A_177 : vector<16xi1>, vector<16xi32>
      %swap3A_178 = arith.constant 0 : index
      %swap3A_179 = tpu.vector_load %arg14[%swap3A_178] {strides = array<i32>} : memref<144xi32, #tpu.memory_space<vmem>>, vector<16xi32>,
      tpu.vector_store %arg14[%swap3A_178], %select_n3A {strides = array<i32>} : memref<144xi32, #tpu.memory_space<vmem>>, vector<16xi32>,
    } else {
    }
    %eq3A_134 = arith.constant 31 : i32
    %eq3A_135 = arith.cmpi eq, %add3A, %eq3A_134 : i32
    %convert_element_type3A_136 = arith.extui %eq3A_135 : i1 to i32
    %cond3A_137 = arith.constant 0 : i32
    %cond3A_138 = arith.cmpi ne, %convert_element_type3A_136, %cond3A_137 : i32
    scf.if %cond3A_138 {
      %get3A_148 = arith.constant 0 : index
      %get3A_149 = tpu.vector_load %arg11[%get3A_148] {strides = array<i32>} : memref<96xf32, #tpu.memory_space<vmem>>, vector<16xf32>,
      %broadcast_in_dim3A = arith.constant 1540 : i32
      %broadcast_in_dim3A_150 = vector.broadcast %broadcast_in_dim3A : i32 to vector<16xi32>
      %gather3A = tpu.vector_load_idx %arg8[%broadcast_in_dim3A_150] : memref<1552xf32, #tpu.memory_space<vmem>>[vector<16xi32>], vector<16xf32>,
      %get3A_151 = arith.constant 0 : index
      %get3A_152 = tpu.vector_load %arg12[%get3A_151] {strides = array<i32>} : memref<576xf32, #tpu.memory_space<vmem>>, vector<16xf32>,
      %mul3A_153 = arith.mulf %gather3A, %get3A_152 : vector<16xf32>
      %add3A_154 = arith.addf %get3A_149, %mul3A_153 : vector<16xf32>
      %broadcast_in_dim3A_155 = arith.constant 1541 : i32
      %broadcast_in_dim3A_156 = vector.broadcast %broadcast_in_dim3A_155 : i32 to vector<16xi32>
      %gather3A_157 = tpu.vector_load_idx %arg8[%broadcast_in_dim3A_156] : memref<1552xf32, #tpu.memory_space<vmem>>[vector<16xi32>], vector<16xf32>,
      %get3A_158 = arith.constant 48 : index
      %get3A_159 = tpu.vector_load %arg12[%get3A_158] {strides = array<i32>} : memref<576xf32, #tpu.memory_space<vmem>>, vector<16xf32>,
      %mul3A_160 = arith.mulf %gather3A_157, %get3A_159 : vector<16xf32>
      %add3A_161 = arith.addf %add3A_154, %mul3A_160 : vector<16xf32>
      %broadcast_in_dim3A_162 = arith.constant 1542 : i32
      %broadcast_in_dim3A_163 = vector.broadcast %broadcast_in_dim3A_162 : i32 to vector<16xi32>
      %gather3A_164 = tpu.vector_load_idx %arg8[%broadcast_in_dim3A_163] : memref<1552xf32, #tpu.memory_space<vmem>>[vector<16xi32>], vector<16xf32>,
      %get3A_165 = arith.constant 96 : index
      %get3A_166 = tpu.vector_load %arg12[%get3A_165] {strides = array<i32>} : memref<576xf32, #tpu.memory_space<vmem>>, vector<16xf32>,
      %mul3A_167 = arith.mulf %gather3A_164, %get3A_166 : vector<16xf32>
      %add3A_168 = arith.addf %add3A_161, %mul3A_167 : vector<16xf32>
      %broadcast_in_dim3A_169 = arith.constant 1543 : i32
      %broadcast_in_dim3A_170 = vector.broadcast %broadcast_in_dim3A_169 : i32 to vector<16xi32>
      %gather3A_171 = tpu.vector_load_idx %arg8[%broadcast_in_dim3A_170] : memref<1552xf32, #tpu.memory_space<vmem>>[vector<16xi32>], vector<16xf32>,
      %get3A_172 = arith.constant 144 : index
      %get3A_173 = tpu.vector_load %arg12[%get3A_172] {strides = array<i32>} : memref<576xf32, #tpu.memory_space<vmem>>, vector<16xf32>,
      %mul3A_174 = arith.mulf %gather3A_171, %get3A_173 : vector<16xf32>
      %add3A_175 = arith.addf %add3A_168, %mul3A_174 : vector<16xf32>
      %broadcast_in_dim3A_176 = arith.constant 1544 : i32
      %broadcast_in_dim3A_177 = vector.broadcast %broadcast_in_dim3A_176 : i32 to vector<16xi32>
      %gather3A_178 = tpu.vector_load_idx %arg8[%broadcast_in_dim3A_177] : memref<1552xf32, #tpu.memory_space<vmem>>[vector<16xi32>], vector<16xf32>,
      %get3A_179 = arith.constant 192 : index
      %get3A_180 = tpu.vector_load %arg12[%get3A_179] {strides = array<i32>} : memref<576xf32, #tpu.memory_space<vmem>>, vector<16xf32>,
      %mul3A_181 = arith.mulf %gather3A_178, %get3A_180 : vector<16xf32>
      %add3A_182 = arith.addf %add3A_175, %mul3A_181 : vector<16xf32>
      %broadcast_in_dim3A_183 = arith.constant 1545 : i32
      %broadcast_in_dim3A_184 = vector.broadcast %broadcast_in_dim3A_183 : i32 to vector<16xi32>
      %gather3A_185 = tpu.vector_load_idx %arg8[%broadcast_in_dim3A_184] : memref<1552xf32, #tpu.memory_space<vmem>>[vector<16xi32>], vector<16xf32>,
      %get3A_186 = arith.constant 240 : index
      %get3A_187 = tpu.vector_load %arg12[%get3A_186] {strides = array<i32>} : memref<576xf32, #tpu.memory_space<vmem>>, vector<16xf32>,
      %mul3A_188 = arith.mulf %gather3A_185, %get3A_187 : vector<16xf32>
      %add3A_189 = arith.addf %add3A_182, %mul3A_188 : vector<16xf32>
      %broadcast_in_dim3A_190 = arith.constant 1546 : i32
      %broadcast_in_dim3A_191 = vector.broadcast %broadcast_in_dim3A_190 : i32 to vector<16xi32>
      %gather3A_192 = tpu.vector_load_idx %arg8[%broadcast_in_dim3A_191] : memref<1552xf32, #tpu.memory_space<vmem>>[vector<16xi32>], vector<16xf32>,
      %get3A_193 = arith.constant 288 : index
      %get3A_194 = tpu.vector_load %arg12[%get3A_193] {strides = array<i32>} : memref<576xf32, #tpu.memory_space<vmem>>, vector<16xf32>,
      %mul3A_195 = arith.mulf %gather3A_192, %get3A_194 : vector<16xf32>
      %add3A_196 = arith.addf %add3A_189, %mul3A_195 : vector<16xf32>
      %broadcast_in_dim3A_197 = arith.constant 1547 : i32
      %broadcast_in_dim3A_198 = vector.broadcast %broadcast_in_dim3A_197 : i32 to vector<16xi32>
      %gather3A_199 = tpu.vector_load_idx %arg8[%broadcast_in_dim3A_198] : memref<1552xf32, #tpu.memory_space<vmem>>[vector<16xi32>], vector<16xf32>,
      %get3A_200 = arith.constant 336 : index
      %get3A_201 = tpu.vector_load %arg12[%get3A_200] {strides = array<i32>} : memref<576xf32, #tpu.memory_space<vmem>>, vector<16xf32>,
      %mul3A_202 = arith.mulf %gather3A_199, %get3A_201 : vector<16xf32>
      %add3A_203 = arith.addf %add3A_196, %mul3A_202 : vector<16xf32>
      %broadcast_in_dim3A_204 = arith.constant 1548 : i32
      %broadcast_in_dim3A_205 = vector.broadcast %broadcast_in_dim3A_204 : i32 to vector<16xi32>
      %gather3A_206 = tpu.vector_load_idx %arg8[%broadcast_in_dim3A_205] : memref<1552xf32, #tpu.memory_space<vmem>>[vector<16xi32>], vector<16xf32>,
      %get3A_207 = arith.constant 384 : index
      %get3A_208 = tpu.vector_load %arg12[%get3A_207] {strides = array<i32>} : memref<576xf32, #tpu.memory_space<vmem>>, vector<16xf32>,
      %mul3A_209 = arith.mulf %gather3A_206, %get3A_208 : vector<16xf32>
      %add3A_210 = arith.addf %add3A_203, %mul3A_209 : vector<16xf32>
      %broadcast_in_dim3A_211 = arith.constant 1549 : i32
      %broadcast_in_dim3A_212 = vector.broadcast %broadcast_in_dim3A_211 : i32 to vector<16xi32>
      %gather3A_213 = tpu.vector_load_idx %arg8[%broadcast_in_dim3A_212] : memref<1552xf32, #tpu.memory_space<vmem>>[vector<16xi32>], vector<16xf32>,
      %get3A_214 = arith.constant 432 : index
      %get3A_215 = tpu.vector_load %arg12[%get3A_214] {strides = array<i32>} : memref<576xf32, #tpu.memory_space<vmem>>, vector<16xf32>,
      %mul3A_216 = arith.mulf %gather3A_213, %get3A_215 : vector<16xf32>
      %add3A_217 = arith.addf %add3A_210, %mul3A_216 : vector<16xf32>
      %broadcast_in_dim3A_218 = arith.constant 1550 : i32
      %broadcast_in_dim3A_219 = vector.broadcast %broadcast_in_dim3A_218 : i32 to vector<16xi32>
      %gather3A_220 = tpu.vector_load_idx %arg8[%broadcast_in_dim3A_219] : memref<1552xf32, #tpu.memory_space<vmem>>[vector<16xi32>], vector<16xf32>,
      %get3A_221 = arith.constant 480 : index
      %get3A_222 = tpu.vector_load %arg12[%get3A_221] {strides = array<i32>} : memref<576xf32, #tpu.memory_space<vmem>>, vector<16xf32>,
      %mul3A_223 = arith.mulf %gather3A_220, %get3A_222 : vector<16xf32>
      %add3A_224 = arith.addf %add3A_217, %mul3A_223 : vector<16xf32>
      %broadcast_in_dim3A_225 = arith.constant 1551 : i32
      %broadcast_in_dim3A_226 = vector.broadcast %broadcast_in_dim3A_225 : i32 to vector<16xi32>
      %gather3A_227 = tpu.vector_load_idx %arg8[%broadcast_in_dim3A_226] : memref<1552xf32, #tpu.memory_space<vmem>>[vector<16xi32>], vector<16xf32>,
      %get3A_228 = arith.constant 528 : index
      %get3A_229 = tpu.vector_load %arg12[%get3A_228] {strides = array<i32>} : memref<576xf32, #tpu.memory_space<vmem>>, vector<16xf32>,
      %mul3A_230 = arith.mulf %gather3A_227, %get3A_229 : vector<16xf32>
      %add3A_231 = arith.addf %add3A_224, %mul3A_230 : vector<16xf32>
      %swap3A_232 = arith.constant 6144 : index
      %swap3A_233 = tpu.vector_load %arg9[%swap3A_232] {strides = array<i32>} : memref<6240xf32, #tpu.memory_space<vmem>>, vector<16xf32>,
      tpu.vector_store %arg9[%swap3A_232], %add3A_231 {strides = array<i32>} : memref<6240xf32, #tpu.memory_space<vmem>>, vector<16xf32>,
      %get3A_234 = arith.constant 48 : index
      %get3A_235 = tpu.vector_load %arg10[%get3A_234] {strides = array<i32>} : memref<192xf32, #tpu.memory_space<vmem>>, vector<16xf32>,
      %mul3A_236 = arith.constant 6.92820311 : f32
      %mul3A_237 = vector.broadcast %mul3A_236 : f32 to vector<16xf32>
      %mul3A_238 = arith.mulf %get3A_235, %mul3A_237 : vector<16xf32>
      %swap3A_239 = arith.constant 6192 : index
      %swap3A_240 = tpu.vector_load %arg9[%swap3A_239] {strides = array<i32>} : memref<6240xf32, #tpu.memory_space<vmem>>, vector<16xf32>,
      tpu.vector_store %arg9[%swap3A_239], %mul3A_238 {strides = array<i32>} : memref<6240xf32, #tpu.memory_space<vmem>>, vector<16xf32>,
      %get3A_241 = arith.constant 16 : index
      %get3A_242 = tpu.vector_load %arg11[%get3A_241] {strides = array<i32>} : memref<96xf32, #tpu.memory_space<vmem>>, vector<16xf32>,
      %broadcast_in_dim3A_243 = arith.constant 1540 : i32
      %broadcast_in_dim3A_244 = vector.broadcast %broadcast_in_dim3A_243 : i32 to vector<16xi32>
      %gather3A_245 = tpu.vector_load_idx %arg8[%broadcast_in_dim3A_244] : memref<1552xf32, #tpu.memory_space<vmem>>[vector<16xi32>], vector<16xf32>,
      %get3A_246 = arith.constant 16 : index
      %get3A_247 = tpu.vector_load %arg12[%get3A_246] {strides = array<i32>} : memref<576xf32, #tpu.memory_space<vmem>>, vector<16xf32>,
      %mul3A_248 = arith.mulf %gather3A_245, %get3A_247 : vector<16xf32>
      %add3A_249 = arith.addf %get3A_242, %mul3A_248 : vector<16xf32>
      %broadcast_in_dim3A_250 = arith.constant 1541 : i32
      %broadcast_in_dim3A_251 = vector.broadcast %broadcast_in_dim3A_250 : i32 to vector<16xi32>
      %gather3A_252 = tpu.vector_load_idx %arg8[%broadcast_in_dim3A_251] : memref<1552xf32, #tpu.memory_space<vmem>>[vector<16xi32>], vector<16xf32>,
      %get3A_253 = arith.constant 64 : index
      %get3A_254 = tpu.vector_load %arg12[%get3A_253] {strides = array<i32>} : memref<576xf32, #tpu.memory_space<vmem>>, vector<16xf32>,
      %mul3A_255 = arith.mulf %gather3A_252, %get3A_254 : vector<16xf32>
      %add3A_256 = arith.addf %add3A_249, %mul3A_255 : vector<16xf32>
      %broadcast_in_dim3A_257 = arith.constant 1542 : i32
      %broadcast_in_dim3A_258 = vector.broadcast %broadcast_in_dim3A_257 : i32 to vector<16xi32>
      %gather3A_259 = tpu.vector_load_idx %arg8[%broadcast_in_dim3A_258] : memref<1552xf32, #tpu.memory_space<vmem>>[vector<16xi32>], vector<16xf32>,
      %get3A_260 = arith.constant 112 : index
      %get3A_261 = tpu.vector_load %arg12[%get3A_260] {strides = array<i32>} : memref<576xf32, #tpu.memory_space<vmem>>, vector<16xf32>,
      %mul3A_262 = arith.mulf %gather3A_259, %get3A_261 : vector<16xf32>
      %add3A_263 = arith.addf %add3A_256, %mul3A_262 : vector<16xf32>
      %broadcast_in_dim3A_264 = arith.constant 1543 : i32
      %broadcast_in_dim3A_265 = vector.broadcast %broadcast_in_dim3A_264 : i32 to vector<16xi32>
      %gather3A_266 = tpu.vector_load_idx %arg8[%broadcast_in_dim3A_265] : memref<1552xf32, #tpu.memory_space<vmem>>[vector<16xi32>], vector<16xf32>,
      %get3A_267 = arith.constant 160 : index
      %get3A_268 = tpu.vector_load %arg12[%get3A_267] {strides = array<i32>} : memref<576xf32, #tpu.memory_space<vmem>>, vector<16xf32>,
      %mul3A_269 = arith.mulf %gather3A_266, %get3A_268 : vector<16xf32>
      %add3A_270 = arith.addf %add3A_263, %mul3A_269 : vector<16xf32>
      %broadcast_in_dim3A_271 = arith.constant 1544 : i32
      %broadcast_in_dim3A_272 = vector.broadcast %broadcast_in_dim3A_271 : i32 to vector<16xi32>
      %gather3A_273 = tpu.vector_load_idx %arg8[%broadcast_in_dim3A_272] : memref<1552xf32, #tpu.memory_space<vmem>>[vector<16xi32>], vector<16xf32>,
      %get3A_274 = arith.constant 208 : index
      %get3A_275 = tpu.vector_load %arg12[%get3A_274] {strides = array<i32>} : memref<576xf32, #tpu.memory_space<vmem>>, vector<16xf32>,
      %mul3A_276 = arith.mulf %gather3A_273, %get3A_275 : vector<16xf32>
      %add3A_277 = arith.addf %add3A_270, %mul3A_276 : vector<16xf32>
      %broadcast_in_dim3A_278 = arith.constant 1545 : i32
      %broadcast_in_dim3A_279 = vector.broadcast %broadcast_in_dim3A_278 : i32 to vector<16xi32>
      %gather3A_280 = tpu.vector_load_idx %arg8[%broadcast_in_dim3A_279] : memref<1552xf32, #tpu.memory_space<vmem>>[vector<16xi32>], vector<16xf32>,
      %get3A_281 = arith.constant 256 : index
      %get3A_282 = tpu.vector_load %arg12[%get3A_281] {strides = array<i32>} : memref<576xf32, #tpu.memory_space<vmem>>, vector<16xf32>,
      %mul3A_283 = arith.mulf %gather3A_280, %get3A_282 : vector<16xf32>
      %add3A_284 = arith.addf %add3A_277, %mul3A_283 : vector<16xf32>
      %broadcast_in_dim3A_285 = arith.constant 1546 : i32
      %broadcast_in_dim3A_286 = vector.broadcast %broadcast_in_dim3A_285 : i32 to vector<16xi32>
      %gather3A_287 = tpu.vector_load_idx %arg8[%broadcast_in_dim3A_286] : memref<1552xf32, #tpu.memory_space<vmem>>[vector<16xi32>], vector<16xf32>,
      %get3A_288 = arith.constant 304 : index
      %get3A_289 = tpu.vector_load %arg12[%get3A_288] {strides = array<i32>} : memref<576xf32, #tpu.memory_space<vmem>>, vector<16xf32>,
      %mul3A_290 = arith.mulf %gather3A_287, %get3A_289 : vector<16xf32>
      %add3A_291 = arith.addf %add3A_284, %mul3A_290 : vector<16xf32>
      %broadcast_in_dim3A_292 = arith.constant 1547 : i32
      %broadcast_in_dim3A_293 = vector.broadcast %broadcast_in_dim3A_292 : i32 to vector<16xi32>
      %gather3A_294 = tpu.vector_load_idx %arg8[%broadcast_in_dim3A_293] : memref<1552xf32, #tpu.memory_space<vmem>>[vector<16xi32>], vector<16xf32>,
      %get3A_295 = arith.constant 352 : index
      %get3A_296 = tpu.vector_load %arg12[%get3A_295] {strides = array<i32>} : memref<576xf32, #tpu.memory_space<vmem>>, vector<16xf32>,
      %mul3A_297 = arith.mulf %gather3A_294, %get3A_296 : vector<16xf32>
      %add3A_298 = arith.addf %add3A_291, %mul3A_297 : vector<16xf32>
      %broadcast_in_dim3A_299 = arith.constant 1548 : i32
      %broadcast_in_dim3A_300 = vector.broadcast %broadcast_in_dim3A_299 : i32 to vector<16xi32>
      %gather3A_301 = tpu.vector_load_idx %arg8[%broadcast_in_dim3A_300] : memref<1552xf32, #tpu.memory_space<vmem>>[vector<16xi32>], vector<16xf32>,
      %get3A_302 = arith.constant 400 : index
      %get3A_303 = tpu.vector_load %arg12[%get3A_302] {strides = array<i32>} : memref<576xf32, #tpu.memory_space<vmem>>, vector<16xf32>,
      %mul3A_304 = arith.mulf %gather3A_301, %get3A_303 : vector<16xf32>
      %add3A_305 = arith.addf %add3A_298, %mul3A_304 : vector<16xf32>
      %broadcast_in_dim3A_306 = arith.constant 1549 : i32
      %broadcast_in_dim3A_307 = vector.broadcast %broadcast_in_dim3A_306 : i32 to vector<16xi32>
      %gather3A_308 = tpu.vector_load_idx %arg8[%broadcast_in_dim3A_307] : memref<1552xf32, #tpu.memory_space<vmem>>[vector<16xi32>], vector<16xf32>,
      %get3A_309 = arith.constant 448 : index
      %get3A_310 = tpu.vector_load %arg12[%get3A_309] {strides = array<i32>} : memref<576xf32, #tpu.memory_space<vmem>>, vector<16xf32>,
      %mul3A_311 = arith.mulf %gather3A_308, %get3A_310 : vector<16xf32>
      %add3A_312 = arith.addf %add3A_305, %mul3A_311 : vector<16xf32>
      %broadcast_in_dim3A_313 = arith.constant 1550 : i32
      %broadcast_in_dim3A_314 = vector.broadcast %broadcast_in_dim3A_313 : i32 to vector<16xi32>
      %gather3A_315 = tpu.vector_load_idx %arg8[%broadcast_in_dim3A_314] : memref<1552xf32, #tpu.memory_space<vmem>>[vector<16xi32>], vector<16xf32>,
      %get3A_316 = arith.constant 496 : index
      %get3A_317 = tpu.vector_load %arg12[%get3A_316] {strides = array<i32>} : memref<576xf32, #tpu.memory_space<vmem>>, vector<16xf32>,
      %mul3A_318 = arith.mulf %gather3A_315, %get3A_317 : vector<16xf32>
      %add3A_319 = arith.addf %add3A_312, %mul3A_318 : vector<16xf32>
      %broadcast_in_dim3A_320 = arith.constant 1551 : i32
      %broadcast_in_dim3A_321 = vector.broadcast %broadcast_in_dim3A_320 : i32 to vector<16xi32>
      %gather3A_322 = tpu.vector_load_idx %arg8[%broadcast_in_dim3A_321] : memref<1552xf32, #tpu.memory_space<vmem>>[vector<16xi32>], vector<16xf32>,
      %get3A_323 = arith.constant 544 : index
      %get3A_324 = tpu.vector_load %arg12[%get3A_323] {strides = array<i32>} : memref<576xf32, #tpu.memory_space<vmem>>, vector<16xf32>,
      %mul3A_325 = arith.mulf %gather3A_322, %get3A_324 : vector<16xf32>
      %add3A_326 = arith.addf %add3A_319, %mul3A_325 : vector<16xf32>
      %swap3A_327 = arith.constant 6160 : index
      %swap3A_328 = tpu.vector_load %arg9[%swap3A_327] {strides = array<i32>} : memref<6240xf32, #tpu.memory_space<vmem>>, vector<16xf32>,
      tpu.vector_store %arg9[%swap3A_327], %add3A_326 {strides = array<i32>} : memref<6240xf32, #tpu.memory_space<vmem>>, vector<16xf32>,
      %get3A_329 = arith.constant 64 : index
      %get3A_330 = tpu.vector_load %arg10[%get3A_329] {strides = array<i32>} : memref<192xf32, #tpu.memory_space<vmem>>, vector<16xf32>,
      %mul3A_331 = arith.constant 6.92820311 : f32
      %mul3A_332 = vector.broadcast %mul3A_331 : f32 to vector<16xf32>
      %mul3A_333 = arith.mulf %get3A_330, %mul3A_332 : vector<16xf32>
      %swap3A_334 = arith.constant 6208 : index
      %swap3A_335 = tpu.vector_load %arg9[%swap3A_334] {strides = array<i32>} : memref<6240xf32, #tpu.memory_space<vmem>>, vector<16xf32>,
      tpu.vector_store %arg9[%swap3A_334], %mul3A_333 {strides = array<i32>} : memref<6240xf32, #tpu.memory_space<vmem>>, vector<16xf32>,
      %get3A_336 = arith.constant 32 : index
      %get3A_337 = tpu.vector_load %arg11[%get3A_336] {strides = array<i32>} : memref<96xf32, #tpu.memory_space<vmem>>, vector<16xf32>,
      %broadcast_in_dim3A_338 = arith.constant 1540 : i32
      %broadcast_in_dim3A_339 = vector.broadcast %broadcast_in_dim3A_338 : i32 to vector<16xi32>
      %gather3A_340 = tpu.vector_load_idx %arg8[%broadcast_in_dim3A_339] : memref<1552xf32, #tpu.memory_space<vmem>>[vector<16xi32>], vector<16xf32>,
      %get3A_341 = arith.constant 32 : index
      %get3A_342 = tpu.vector_load %arg12[%get3A_341] {strides = array<i32>} : memref<576xf32, #tpu.memory_space<vmem>>, vector<16xf32>,
      %mul3A_343 = arith.mulf %gather3A_340, %get3A_342 : vector<16xf32>
      %add3A_344 = arith.addf %get3A_337, %mul3A_343 : vector<16xf32>
      %broadcast_in_dim3A_345 = arith.constant 1541 : i32
      %broadcast_in_dim3A_346 = vector.broadcast %broadcast_in_dim3A_345 : i32 to vector<16xi32>
      %gather3A_347 = tpu.vector_load_idx %arg8[%broadcast_in_dim3A_346] : memref<1552xf32, #tpu.memory_space<vmem>>[vector<16xi32>], vector<16xf32>,
      %get3A_348 = arith.constant 80 : index
      %get3A_349 = tpu.vector_load %arg12[%get3A_348] {strides = array<i32>} : memref<576xf32, #tpu.memory_space<vmem>>, vector<16xf32>,
      %mul3A_350 = arith.mulf %gather3A_347, %get3A_349 : vector<16xf32>
      %add3A_351 = arith.addf %add3A_344, %mul3A_350 : vector<16xf32>
      %broadcast_in_dim3A_352 = arith.constant 1542 : i32
      %broadcast_in_dim3A_353 = vector.broadcast %broadcast_in_dim3A_352 : i32 to vector<16xi32>
      %gather3A_354 = tpu.vector_load_idx %arg8[%broadcast_in_dim3A_353] : memref<1552xf32, #tpu.memory_space<vmem>>[vector<16xi32>], vector<16xf32>,
      %get3A_355 = arith.constant 128 : index
      %get3A_356 = tpu.vector_load %arg12[%get3A_355] {strides = array<i32>} : memref<576xf32, #tpu.memory_space<vmem>>, vector<16xf32>,
      %mul3A_357 = arith.mulf %gather3A_354, %get3A_356 : vector<16xf32>
      %add3A_358 = arith.addf %add3A_351, %mul3A_357 : vector<16xf32>
      %broadcast_in_dim3A_359 = arith.constant 1543 : i32
      %broadcast_in_dim3A_360 = vector.broadcast %broadcast_in_dim3A_359 : i32 to vector<16xi32>
      %gather3A_361 = tpu.vector_load_idx %arg8[%broadcast_in_dim3A_360] : memref<1552xf32, #tpu.memory_space<vmem>>[vector<16xi32>], vector<16xf32>,
      %get3A_362 = arith.constant 176 : index
      %get3A_363 = tpu.vector_load %arg12[%get3A_362] {strides = array<i32>} : memref<576xf32, #tpu.memory_space<vmem>>, vector<16xf32>,
      %mul3A_364 = arith.mulf %gather3A_361, %get3A_363 : vector<16xf32>
      %add3A_365 = arith.addf %add3A_358, %mul3A_364 : vector<16xf32>
      %broadcast_in_dim3A_366 = arith.constant 1544 : i32
      %broadcast_in_dim3A_367 = vector.broadcast %broadcast_in_dim3A_366 : i32 to vector<16xi32>
      %gather3A_368 = tpu.vector_load_idx %arg8[%broadcast_in_dim3A_367] : memref<1552xf32, #tpu.memory_space<vmem>>[vector<16xi32>], vector<16xf32>,
      %get3A_369 = arith.constant 224 : index
      %get3A_370 = tpu.vector_load %arg12[%get3A_369] {strides = array<i32>} : memref<576xf32, #tpu.memory_space<vmem>>, vector<16xf32>,
      %mul3A_371 = arith.mulf %gather3A_368, %get3A_370 : vector<16xf32>
      %add3A_372 = arith.addf %add3A_365, %mul3A_371 : vector<16xf32>
      %broadcast_in_dim3A_373 = arith.constant 1545 : i32
      %broadcast_in_dim3A_374 = vector.broadcast %broadcast_in_dim3A_373 : i32 to vector<16xi32>
      %gather3A_375 = tpu.vector_load_idx %arg8[%broadcast_in_dim3A_374] : memref<1552xf32, #tpu.memory_space<vmem>>[vector<16xi32>], vector<16xf32>,
      %get3A_376 = arith.constant 272 : index
      %get3A_377 = tpu.vector_load %arg12[%get3A_376] {strides = array<i32>} : memref<576xf32, #tpu.memory_space<vmem>>, vector<16xf32>,
      %mul3A_378 = arith.mulf %gather3A_375, %get3A_377 : vector<16xf32>
      %add3A_379 = arith.addf %add3A_372, %mul3A_378 : vector<16xf32>
      %broadcast_in_dim3A_380 = arith.constant 1546 : i32
      %broadcast_in_dim3A_381 = vector.broadcast %broadcast_in_dim3A_380 : i32 to vector<16xi32>
      %gather3A_382 = tpu.vector_load_idx %arg8[%broadcast_in_dim3A_381] : memref<1552xf32, #tpu.memory_space<vmem>>[vector<16xi32>], vector<16xf32>,
      %get3A_383 = arith.constant 320 : index
      %get3A_384 = tpu.vector_load %arg12[%get3A_383] {strides = array<i32>} : memref<576xf32, #tpu.memory_space<vmem>>, vector<16xf32>,
      %mul3A_385 = arith.mulf %gather3A_382, %get3A_384 : vector<16xf32>
      %add3A_386 = arith.addf %add3A_379, %mul3A_385 : vector<16xf32>
      %broadcast_in_dim3A_387 = arith.constant 1547 : i32
      %broadcast_in_dim3A_388 = vector.broadcast %broadcast_in_dim3A_387 : i32 to vector<16xi32>
      %gather3A_389 = tpu.vector_load_idx %arg8[%broadcast_in_dim3A_388] : memref<1552xf32, #tpu.memory_space<vmem>>[vector<16xi32>], vector<16xf32>,
      %get3A_390 = arith.constant 368 : index
      %get3A_391 = tpu.vector_load %arg12[%get3A_390] {strides = array<i32>} : memref<576xf32, #tpu.memory_space<vmem>>, vector<16xf32>,
      %mul3A_392 = arith.mulf %gather3A_389, %get3A_391 : vector<16xf32>
      %add3A_393 = arith.addf %add3A_386, %mul3A_392 : vector<16xf32>
      %broadcast_in_dim3A_394 = arith.constant 1548 : i32
      %broadcast_in_dim3A_395 = vector.broadcast %broadcast_in_dim3A_394 : i32 to vector<16xi32>
      %gather3A_396 = tpu.vector_load_idx %arg8[%broadcast_in_dim3A_395] : memref<1552xf32, #tpu.memory_space<vmem>>[vector<16xi32>], vector<16xf32>,
      %get3A_397 = arith.constant 416 : index
      %get3A_398 = tpu.vector_load %arg12[%get3A_397] {strides = array<i32>} : memref<576xf32, #tpu.memory_space<vmem>>, vector<16xf32>,
      %mul3A_399 = arith.mulf %gather3A_396, %get3A_398 : vector<16xf32>
      %add3A_400 = arith.addf %add3A_393, %mul3A_399 : vector<16xf32>
      %broadcast_in_dim3A_401 = arith.constant 1549 : i32
      %broadcast_in_dim3A_402 = vector.broadcast %broadcast_in_dim3A_401 : i32 to vector<16xi32>
      %gather3A_403 = tpu.vector_load_idx %arg8[%broadcast_in_dim3A_402] : memref<1552xf32, #tpu.memory_space<vmem>>[vector<16xi32>], vector<16xf32>,
      %get3A_404 = arith.constant 464 : index
      %get3A_405 = tpu.vector_load %arg12[%get3A_404] {strides = array<i32>} : memref<576xf32, #tpu.memory_space<vmem>>, vector<16xf32>,
      %mul3A_406 = arith.mulf %gather3A_403, %get3A_405 : vector<16xf32>
      %add3A_407 = arith.addf %add3A_400, %mul3A_406 : vector<16xf32>
      %broadcast_in_dim3A_408 = arith.constant 1550 : i32
      %broadcast_in_dim3A_409 = vector.broadcast %broadcast_in_dim3A_408 : i32 to vector<16xi32>
      %gather3A_410 = tpu.vector_load_idx %arg8[%broadcast_in_dim3A_409] : memref<1552xf32, #tpu.memory_space<vmem>>[vector<16xi32>], vector<16xf32>,
      %get3A_411 = arith.constant 512 : index
      %get3A_412 = tpu.vector_load %arg12[%get3A_411] {strides = array<i32>} : memref<576xf32, #tpu.memory_space<vmem>>, vector<16xf32>,
      %mul3A_413 = arith.mulf %gather3A_410, %get3A_412 : vector<16xf32>
      %add3A_414 = arith.addf %add3A_407, %mul3A_413 : vector<16xf32>
      %broadcast_in_dim3A_415 = arith.constant 1551 : i32
      %broadcast_in_dim3A_416 = vector.broadcast %broadcast_in_dim3A_415 : i32 to vector<16xi32>
      %gather3A_417 = tpu.vector_load_idx %arg8[%broadcast_in_dim3A_416] : memref<1552xf32, #tpu.memory_space<vmem>>[vector<16xi32>], vector<16xf32>,
      %get3A_418 = arith.constant 560 : index
      %get3A_419 = tpu.vector_load %arg12[%get3A_418] {strides = array<i32>} : memref<576xf32, #tpu.memory_space<vmem>>, vector<16xf32>,
      %mul3A_420 = arith.mulf %gather3A_417, %get3A_419 : vector<16xf32>
      %add3A_421 = arith.addf %add3A_414, %mul3A_420 : vector<16xf32>
      %swap3A_422 = arith.constant 6176 : index
      %swap3A_423 = tpu.vector_load %arg9[%swap3A_422] {strides = array<i32>} : memref<6240xf32, #tpu.memory_space<vmem>>, vector<16xf32>,
      tpu.vector_store %arg9[%swap3A_422], %add3A_421 {strides = array<i32>} : memref<6240xf32, #tpu.memory_space<vmem>>, vector<16xf32>,
      %get3A_424 = arith.constant 80 : index
      %get3A_425 = tpu.vector_load %arg10[%get3A_424] {strides = array<i32>} : memref<192xf32, #tpu.memory_space<vmem>>, vector<16xf32>,
      %mul3A_426 = arith.constant 6.92820311 : f32
      %mul3A_427 = vector.broadcast %mul3A_426 : f32 to vector<16xf32>
      %mul3A_428 = arith.mulf %get3A_425, %mul3A_427 : vector<16xf32>
      %swap3A_429 = arith.constant 6224 : index
      %swap3A_430 = tpu.vector_load %arg9[%swap3A_429] {strides = array<i32>} : memref<6240xf32, #tpu.memory_space<vmem>>, vector<16xf32>,
      tpu.vector_store %arg9[%swap3A_429], %mul3A_428 {strides = array<i32>} : memref<6240xf32, #tpu.memory_space<vmem>>, vector<16xf32>,
      %eq3A_431 = arith.constant 0 : i32
      %eq3A_432 = vector.broadcast %eq3A_431 : i32 to vector<16xi32>
      %eq3A_433 = arith.cmpi eq, %iota3A, %eq3A_432 : vector<16xi32>
      %eq3A_434 = arith.constant 1 : i32
      %eq3A_435 = vector.broadcast %eq3A_434 : i32 to vector<16xi32>
      %eq3A_436 = arith.cmpi eq, %iota3A, %eq3A_435 : vector<16xi32>
      %jit3A = arith.constant 3 : i32
      %jit3A_437 = arith.constant 0 : i32
      %broadcast_in_dim3A_438 = vector.broadcast %jit3A : i32 to vector<16xi32>
      %broadcast_in_dim3A_439 = vector.broadcast %jit3A_437 : i32 to vector<16xi32>
      %select_n3A = arith.select %eq3A_436, %broadcast_in_dim3A_438, %broadcast_in_dim3A_439 : vector<16xi1>, vector<16xi32>
      %jit3A_440 = arith.constant 4 : i32
      %broadcast_in_dim3A_441 = vector.broadcast %jit3A_440 : i32 to vector<16xi32>
      %select_n3A_442 = arith.select %eq3A_433, %broadcast_in_dim3A_441, %select_n3A : vector<16xi1>, vector<16xi32>
      %swap3A_443 = arith.constant 128 : index
      %swap3A_444 = tpu.vector_load %arg14[%swap3A_443] {strides = array<i32>} : memref<144xi32, #tpu.memory_space<vmem>>, vector<16xi32>,
      tpu.vector_store %arg14[%swap3A_443], %select_n3A_442 {strides = array<i32>} : memref<144xi32, #tpu.memory_space<vmem>>, vector<16xi32>,
    } else {
    }
    %lt3A = arith.constant 31 : i32
    %lt3A_139 = arith.cmpi slt, %add3A, %lt3A : i32
    %convert_element_type3A_140 = arith.extui %lt3A_139 : i1 to i32
    %cond3A_141 = arith.constant 0 : i32
    %cond3A_142 = arith.cmpi ne, %convert_element_type3A_140, %cond3A_141 : i32
    scf.if %cond3A_142 {
      %mul3A_148 = arith.constant 48 : i32
      %mul3A_149 = arith.muli %mul3A_2, %mul3A_148 : i32
      %multiple_of3A_150 = tpu.assume_multiple %mul3A_149, 8 : i32
      "tpu.region"() ({
        %run_scoped3A = tpu.sem_alloc : memref<!tpu.dma_semaphore, #tpu.memory_space<semaphore_mem>>
        %dma_start3A = arith.constant 0 : i32
        %dma_start3A_152 = tpu.memref_slice %arg9[%dma_start3A] : memref<6240xf32, #tpu.memory_space<vmem>> -> memref<6144xf32, #tpu.memory_space<vmem>>
        %dma_start3A_153 = tpu.memref_slice %arg6[%multiple_of3A_150] : memref<196704xf32, #tpu.memory_space<hbm>> -> memref<6144xf32, #tpu.memory_space<hbm>>
        %dma_start3A_154 = tpu.memref_slice %arg6[%multiple_of3A_150] : memref<196704xf32, #tpu.memory_space<hbm>> -> memref<6144xf32, #tpu.memory_space<hbm>>
        %dma_start3A_155 = arith.constant 0 : i32
        %dma_start3A_156 = tpu.memref_slice %arg9[%dma_start3A_155] : memref<6240xf32, #tpu.memory_space<vmem>> -> memref<6144xf32, #tpu.memory_space<vmem>>
        tpu.enqueue_dma source(%dma_start3A_156 : memref<6144xf32, #tpu.memory_space<vmem>>) target(%dma_start3A_154 : memref<6144xf32, #tpu.memory_space<hbm>>) target_semaphore(%run_scoped3A : memref<!tpu.dma_semaphore, #tpu.memory_space<semaphore_mem>>)
        %dma_wait3A = arith.constant 0 : i32
        %dma_wait3A_157 = tpu.memref_slice %arg9[%dma_wait3A] : memref<6240xf32, #tpu.memory_space<vmem>> -> memref<6144xf32, #tpu.memory_space<vmem>>
        %dma_wait3A_158 = tpu.memref_slice %arg6[%multiple_of3A_150] : memref<196704xf32, #tpu.memory_space<hbm>> -> memref<6144xf32, #tpu.memory_space<hbm>>
        %dma_wait3A_159 = tpu.memref_slice %arg6[%multiple_of3A_150] : memref<196704xf32, #tpu.memory_space<hbm>> -> memref<6144xf32, #tpu.memory_space<hbm>>
        %dma_wait3A_160 = arith.constant 0 : i32
        %dma_wait3A_161 = tpu.memref_slice %arg9[%dma_wait3A_160] : memref<6240xf32, #tpu.memory_space<vmem>> -> memref<6144xf32, #tpu.memory_space<vmem>>
        tpu.wait_dma2 semaphore(%run_scoped3A : memref<!tpu.dma_semaphore, #tpu.memory_space<semaphore_mem>>) src(%dma_wait3A_161 : memref<6144xf32, #tpu.memory_space<vmem>>) dst(%dma_wait3A_159 : memref<6144xf32, #tpu.memory_space<hbm>>)
        tpu.yield
      }) : () -> ()
      %multiple_of3A_151 = tpu.assume_multiple %mul3A_2, 8 : i32
      "tpu.region"() ({
        %run_scoped3A = tpu.sem_alloc : memref<!tpu.dma_semaphore, #tpu.memory_space<semaphore_mem>>
        %dma_start3A = arith.constant 0 : i32
        %dma_start3A_152 = tpu.memref_slice %arg14[%dma_start3A] : memref<144xi32, #tpu.memory_space<vmem>> -> memref<128xi32, #tpu.memory_space<vmem>>
        %dma_start3A_153 = tpu.memref_slice %arg7[%multiple_of3A_151] : memref<4098xi32, #tpu.memory_space<hbm>> -> memref<128xi32, #tpu.memory_space<hbm>>
        %dma_start3A_154 = tpu.memref_slice %arg7[%multiple_of3A_151] : memref<4098xi32, #tpu.memory_space<hbm>> -> memref<128xi32, #tpu.memory_space<hbm>>
        %dma_start3A_155 = arith.constant 0 : i32
        %dma_start3A_156 = tpu.memref_slice %arg14[%dma_start3A_155] : memref<144xi32, #tpu.memory_space<vmem>> -> memref<128xi32, #tpu.memory_space<vmem>>
        tpu.enqueue_dma source(%dma_start3A_156 : memref<128xi32, #tpu.memory_space<vmem>>) target(%dma_start3A_154 : memref<128xi32, #tpu.memory_space<hbm>>) target_semaphore(%run_scoped3A : memref<!tpu.dma_semaphore, #tpu.memory_space<semaphore_mem>>)
        %dma_wait3A = arith.constant 0 : i32
        %dma_wait3A_157 = tpu.memref_slice %arg14[%dma_wait3A] : memref<144xi32, #tpu.memory_space<vmem>> -> memref<128xi32, #tpu.memory_space<vmem>>
        %dma_wait3A_158 = tpu.memref_slice %arg7[%multiple_of3A_151] : memref<4098xi32, #tpu.memory_space<hbm>> -> memref<128xi32, #tpu.memory_space<hbm>>
        %dma_wait3A_159 = tpu.memref_slice %arg7[%multiple_of3A_151] : memref<4098xi32, #tpu.memory_space<hbm>> -> memref<128xi32, #tpu.memory_space<hbm>>
        %dma_wait3A_160 = arith.constant 0 : i32
        %dma_wait3A_161 = tpu.memref_slice %arg14[%dma_wait3A_160] : memref<144xi32, #tpu.memory_space<vmem>> -> memref<128xi32, #tpu.memory_space<vmem>>
        tpu.wait_dma2 semaphore(%run_scoped3A : memref<!tpu.dma_semaphore, #tpu.memory_space<semaphore_mem>>) src(%dma_wait3A_161 : memref<128xi32, #tpu.memory_space<vmem>>) dst(%dma_wait3A_159 : memref<128xi32, #tpu.memory_space<hbm>>)
        tpu.yield
      }) : () -> ()
    } else {
    }
    %eq3A_143 = arith.constant 31 : i32
    %eq3A_144 = arith.cmpi eq, %add3A, %eq3A_143 : i32
    %convert_element_type3A_145 = arith.extui %eq3A_144 : i1 to i32
    %cond3A_146 = arith.constant 0 : i32
    %cond3A_147 = arith.cmpi ne, %convert_element_type3A_145, %cond3A_146 : i32
    scf.if %cond3A_147 {
      %mul3A_148 = arith.constant 48 : i32
      %mul3A_149 = arith.muli %mul3A_2, %mul3A_148 : i32
      %multiple_of3A_150 = tpu.assume_multiple %mul3A_149, 8 : i32
      "tpu.region"() ({
        %run_scoped3A = tpu.sem_alloc : memref<!tpu.dma_semaphore, #tpu.memory_space<semaphore_mem>>
        %dma_start3A = tpu.memref_slice %arg6[%multiple_of3A_150] : memref<196704xf32, #tpu.memory_space<hbm>> -> memref<6240xf32, #tpu.memory_space<hbm>>
        %dma_start3A_152 = tpu.memref_slice %arg6[%multiple_of3A_150] : memref<196704xf32, #tpu.memory_space<hbm>> -> memref<6240xf32, #tpu.memory_space<hbm>>
        tpu.enqueue_dma source(%arg9 : memref<6240xf32, #tpu.memory_space<vmem>>) target(%dma_start3A_152 : memref<6240xf32, #tpu.memory_space<hbm>>) target_semaphore(%run_scoped3A : memref<!tpu.dma_semaphore, #tpu.memory_space<semaphore_mem>>)
        %dma_wait3A = tpu.memref_slice %arg6[%multiple_of3A_150] : memref<196704xf32, #tpu.memory_space<hbm>> -> memref<6240xf32, #tpu.memory_space<hbm>>
        %dma_wait3A_153 = tpu.memref_slice %arg6[%multiple_of3A_150] : memref<196704xf32, #tpu.memory_space<hbm>> -> memref<6240xf32, #tpu.memory_space<hbm>>
        tpu.wait_dma2 semaphore(%run_scoped3A : memref<!tpu.dma_semaphore, #tpu.memory_space<semaphore_mem>>) src(%arg9 : memref<6240xf32, #tpu.memory_space<vmem>>) dst(%dma_wait3A_153 : memref<6240xf32, #tpu.memory_space<hbm>>)
        tpu.yield
      }) : () -> ()
      %multiple_of3A_151 = tpu.assume_multiple %mul3A_2, 8 : i32
      "tpu.region"() ({
        %run_scoped3A = tpu.sem_alloc : memref<!tpu.dma_semaphore, #tpu.memory_space<semaphore_mem>>
        %dma_start3A = arith.constant 0 : i32
        %dma_start3A_152 = tpu.memref_slice %arg14[%dma_start3A] : memref<144xi32, #tpu.memory_space<vmem>> -> memref<128xi32, #tpu.memory_space<vmem>>
        %dma_start3A_153 = tpu.memref_slice %arg7[%multiple_of3A_151] : memref<4098xi32, #tpu.memory_space<hbm>> -> memref<128xi32, #tpu.memory_space<hbm>>
        %dma_start3A_154 = tpu.memref_slice %arg7[%multiple_of3A_151] : memref<4098xi32, #tpu.memory_space<hbm>> -> memref<128xi32, #tpu.memory_space<hbm>>
        %dma_start3A_155 = arith.constant 0 : i32
        %dma_start3A_156 = tpu.memref_slice %arg14[%dma_start3A_155] : memref<144xi32, #tpu.memory_space<vmem>> -> memref<128xi32, #tpu.memory_space<vmem>>
        tpu.enqueue_dma source(%dma_start3A_156 : memref<128xi32, #tpu.memory_space<vmem>>) target(%dma_start3A_154 : memref<128xi32, #tpu.memory_space<hbm>>) target_semaphore(%run_scoped3A : memref<!tpu.dma_semaphore, #tpu.memory_space<semaphore_mem>>)
        %dma_wait3A = arith.constant 0 : i32
        %dma_wait3A_157 = tpu.memref_slice %arg14[%dma_wait3A] : memref<144xi32, #tpu.memory_space<vmem>> -> memref<128xi32, #tpu.memory_space<vmem>>
        %dma_wait3A_158 = tpu.memref_slice %arg7[%multiple_of3A_151] : memref<4098xi32, #tpu.memory_space<hbm>> -> memref<128xi32, #tpu.memory_space<hbm>>
        %dma_wait3A_159 = tpu.memref_slice %arg7[%multiple_of3A_151] : memref<4098xi32, #tpu.memory_space<hbm>> -> memref<128xi32, #tpu.memory_space<hbm>>
        %dma_wait3A_160 = arith.constant 0 : i32
        %dma_wait3A_161 = tpu.memref_slice %arg14[%dma_wait3A_160] : memref<144xi32, #tpu.memory_space<vmem>> -> memref<128xi32, #tpu.memory_space<vmem>>
        tpu.wait_dma2 semaphore(%run_scoped3A : memref<!tpu.dma_semaphore, #tpu.memory_space<semaphore_mem>>) src(%dma_wait3A_161 : memref<128xi32, #tpu.memory_space<vmem>>) dst(%dma_wait3A_159 : memref<128xi32, #tpu.memory_space<hbm>>)
        tpu.yield
      }) : () -> ()
      "tpu.region"() ({
        %run_scoped3A = tpu.sem_alloc : memref<!tpu.dma_semaphore, #tpu.memory_space<semaphore_mem>>
        %dma_start3A = arith.constant 128 : i32
        %dma_start3A_152 = tpu.memref_slice %arg14[%dma_start3A] : memref<144xi32, #tpu.memory_space<vmem>> -> memref<2xi32, #tpu.memory_space<vmem>>
        %dma_start3A_153 = arith.constant 4096 : i32
        %dma_start3A_154 = tpu.memref_slice %arg7[%dma_start3A_153] : memref<4098xi32, #tpu.memory_space<hbm>> -> memref<2xi32, #tpu.memory_space<hbm>>
        %dma_start3A_155 = arith.constant 4096 : i32
        %dma_start3A_156 = tpu.memref_slice %arg7[%dma_start3A_155] : memref<4098xi32, #tpu.memory_space<hbm>> -> memref<2xi32, #tpu.memory_space<hbm>>
        %dma_start3A_157 = arith.constant 128 : i32
        %dma_start3A_158 = tpu.memref_slice %arg14[%dma_start3A_157] : memref<144xi32, #tpu.memory_space<vmem>> -> memref<2xi32, #tpu.memory_space<vmem>>
        tpu.enqueue_dma source(%dma_start3A_158 : memref<2xi32, #tpu.memory_space<vmem>>) target(%dma_start3A_156 : memref<2xi32, #tpu.memory_space<hbm>>) target_semaphore(%run_scoped3A : memref<!tpu.dma_semaphore, #tpu.memory_space<semaphore_mem>>)
        %dma_wait3A = arith.constant 128 : i32
        %dma_wait3A_159 = tpu.memref_slice %arg14[%dma_wait3A] : memref<144xi32, #tpu.memory_space<vmem>> -> memref<2xi32, #tpu.memory_space<vmem>>
        %dma_wait3A_160 = arith.constant 4096 : i32
        %dma_wait3A_161 = tpu.memref_slice %arg7[%dma_wait3A_160] : memref<4098xi32, #tpu.memory_space<hbm>> -> memref<2xi32, #tpu.memory_space<hbm>>
        %dma_wait3A_162 = arith.constant 4096 : i32
        %dma_wait3A_163 = tpu.memref_slice %arg7[%dma_wait3A_162] : memref<4098xi32, #tpu.memory_space<hbm>> -> memref<2xi32, #tpu.memory_space<hbm>>
        %dma_wait3A_164 = arith.constant 128 : i32
        %dma_wait3A_165 = tpu.memref_slice %arg14[%dma_wait3A_164] : memref<144xi32, #tpu.memory_space<vmem>> -> memref<2xi32, #tpu.memory_space<vmem>>
        tpu.wait_dma2 semaphore(%run_scoped3A : memref<!tpu.dma_semaphore, #tpu.memory_space<semaphore_mem>>) src(%dma_wait3A_165 : memref<2xi32, #tpu.memory_space<vmem>>) dst(%dma_wait3A_163 : memref<2xi32, #tpu.memory_space<hbm>>)
        tpu.yield
      }) : () -> ()
    } else {
    }
    return
  }
}

</mosaic_0001>

<sc_bundles>
// kernel: kernel.3.cloned.1.call-start
scs
__scs_entry_jumppad:
0x0: {  	(pc) =	sbr.rel $0x88, $3  }
0x1: {  	(tag) =	ssettag $0x0;
	lr =	simm.s32 $0x1  }
0x2: {  	[smem:$0x3F9D] =	sst lr;
	_ =	strace $0xD0000000  }
0x3: {  	_ = 	snop  }
0x4: {  	_ = 	snop  }
0x5: {  	_ = 	snop  }
0x6: {  	_ = 	snop  }
0x7: {  	_ = 	snop  }
__scs_overlays_trampoline_lowered:
0x8: {  	[smem:$0x3FAC] =	sst s0  }
0x9: {  	[smem:$0x3FAD] =	sst s1  }
0xa: {  	[smem:$0x3FAE] =	sst s2  }
0xb: {  	[smem:$0x3FAF] =	sst s3  }
0xc: {  	[smem:$0x3FB0] =	sst s4  }
0xd: {  	[smem:$0x3FB1] =	sst s5  }
0xe: {  	[smem:$0x3FB2] =	sst s6  }
0xf: {  	[smem:$0x3FB3] =	sst s7  }
0x10: {  	[smem:$0x3FB4] =	sst s8  }
0x11: {  	[smem:$0x3FB5] =	sst s9;
	s0 =	simm.s32 @!p0 $0x0  }
0x12: {  	s1 =	sld [smem:$0x3F9B];
	s0 =	simm.s32 @p0 $0x1  }
0x13: {  	[smem:$0x3FB6] =	sst s0;
	s0 =	simm.s32 @!p1 $0x0  }
0x14: {  	s2 =	sld [smem:$0x3F9A];
	s0 =	simm.s32 @p1 $0x1  }
0x15: {  	[smem:$0x3FB7] =	sst s0;
	s0 =	simm.s32 @!p2 $0x0  }
0x16: {  	s3 =	sld [smem:$0x3FDB];
	s0 =	simm.s32 @p2 $0x1  }
0x17: {  	s4 =	simm.s32 $0x1BF5;
	[smem:$0x3FB9] =	sst s0  }
0x18: {  	s0 =	sld [smem:$0x3F9C];
	_ =	swait.ge [sflag:s4], $0x0  }
0x19: {  	s7 =	sld [smem:$0x3F9D]  }
0x1a: {  	s8 =	sadd.s32 $0xFFFFE003, lr  }
0x1b: {  	s9 =	sadd.s32 $0xFFFFFEF7, lr;
	s5 =	simm.s32 $0xFFFFFFFF;
	p2 =	slt.u32 s8, $0xFFFFF086  }
0x1c: {  	p1 =	slt.u32 s9, $0xF7A;
	s5 =	simm.s32 @!p2 $0x0  }
0x1d: {  	s5 =	simm.s32 @p1 $0x1;
	p0 =	seq.s32 s7, s2  }
0x1e: {  	s7 =	smul.u32 @!p0 $0xF7A, s2;
	p2 =	seq.s32 @!p0 s5, $0x0  }
0x1f: {  	s9 =	smul.u32 $0xF7A, s1;
	s8 =	simm.s32 @!p0 $0x1BF5;
	p2 =	por !p2, p0  }
0x20: {  	[sflag:s8] =	ssyncset.s32 @!p0 $0xFFFFF086;
	s6 =	sadd.s32 @!p0 s3, s7;
	s7 =	simm.s32 @!p0 $0x108  }
0x21: {  	s3 =	sadd.s32 s3, s9;
	s6 =	sadd.s32 @!p0 $0x88, s6;
	s7 =	simm.s32 @p2 $0x1082  }
0x22: {  	[simem:s7], [sflag:s8] =	dma.local @!p0 [hbm:s6], $0xF7A  }
0x23: {  	s9 =	sor.u32 $0xD0000000, s2;
	s6 =	simm.s32 $0x108;
	_ =	swait.ge @!p0 [sflag:s8], $0x0  }
0x24: {  	s3 =	sadd.s32 $0x88, s3;
	s6 =	simm.s32 @!p1 $0x1082;
	[sflag:s4] =	ssyncset.s32 $0xFFFFF086  }
0x25: {  	[simem:s6], [sflag:s4] =	dma.local [hbm:s3], $0xF7A  }
0x26: {  	[smem:$0x3F9D] =	sst s1;
	(tag) =	ssettag s2;
	_ =	strace s9  }
0x27: {  	s1 =	sld [smem:$0x3FAD]  }
0x28: {  	s2 =	sld [smem:$0x3FAE]  }
0x29: {  	s4 =	sld [smem:$0x3FB0]  }
0x2a: {  	p0 =	seq.s32 s5, $0x0;
	s5 =	sld [smem:$0x3FB1]  }
0x2b: {  	s6 =	sld [smem:$0x3FB2]  }
0x2c: {  	s7 =	sld [smem:$0x3FB3]  }
0x2d: {  	s3 =	simm.s32 $0x108;
	s8 =	sld [smem:$0x3FB4]  }
0x2e: {  	s3 =	simm.s32 @!p0 $0x1082;
	s9 =	sld [smem:$0x3FB5]  }
0x2f: {  	lr =	sadd.s32 s0, s3;
	s0 =	sld [smem:$0x3FAC]  }
0x30: {  	s3 =	sld [smem:$0x3FAF]  }
0x31: {  	[smem:$0x3FB8] =	sst s10  }
0x32: {  	s10 =	sld [smem:$0x3FB6];
	_ =	sdelay $0x3  }
0x33: {  	p0 =	seq.s32 s10, $0x1;
	s10 =	sld [smem:$0x3FB8];
	_ =	sdelay $0x3  }
0x34: {  	[smem:$0x3FB8] =	sst s10  }
0x35: {  	s10 =	sld [smem:$0x3FB7];
	_ =	sdelay $0x3  }
0x36: {  	p1 =	seq.s32 s10, $0x1;
	s10 =	sld [smem:$0x3FB8];
	_ =	sdelay $0x3  }
0x37: {  	[smem:$0x3FB8] =	sst s10  }
0x38: {  	s10 =	sld [smem:$0x3FB9]  }
0x39: {  	_ = 	snop;
	(pc) =	sbr.ind lr, $3  }
0x3a: {  	_ = 	snop  }
0x3b: {  	_ = 	snop  }
0x3c: {  	p2 =	seq.s32 s10, $0x1;
	s10 =	sld [smem:$0x3FB8]  }
0x3d: {  	_ =	shalt  }
0x3e: {  	_ =	shalt  }
0x3f: {  	_ =	shalt  }
0x40: {  	_ =	shalt  }
0x41: {  	_ =	shalt  }
0x42: {  	_ =	shalt  }
0x43: {  	_ =	shalt  }
0x44: {  	_ =	shalt  }
0x45: {  	_ =	shalt  }
0x46: {  	_ =	shalt  }
0x47: {  	_ =	shalt  }
0x48: {  	_ =	shalt  }
0x49: {  	_ =	shalt  }
0x4a: {  	_ =	shalt  }
0x4b: {  	_ =	shalt  }
0x4c: {  	_ =	shalt  }
0x4d: {  	_ =	shalt  }
0x4e: {  	_ =	shalt  }
0x4f: {  	_ =	shalt  }
0x50: {  	_ =	shalt  }
0x51: {  	_ =	shalt  }
0x52: {  	_ =	shalt  }
0x53: {  	_ =	shalt  }
0x54: {  	_ =	shalt  }
0x55: {  	_ =	shalt  }
0x56: {  	_ =	shalt  }
0x57: {  	_ =	shalt  }
0x58: {  	_ =	shalt  }
0x59: {  	_ =	shalt  }
0x5a: {  	_ =	shalt  }
0x5b: {  	_ =	shalt  }
0x5c: {  	_ =	shalt  }
0x5d: {  	_ =	shalt  }
0x5e: {  	_ =	shalt  }
0x5f: {  	_ =	shalt  }
0x60: {  	_ =	shalt  }
0x61: {  	_ =	shalt  }
0x62: {  	_ =	shalt  }
0x63: {  	_ =	shalt  }
0x64: {  	_ =	shalt  }
0x65: {  	_ =	shalt  }
0x66: {  	_ =	shalt  }
0x67: {  	_ =	shalt  }
0x68: {  	_ =	shalt  }
0x69: {  	_ =	shalt  }
0x6a: {  	_ =	shalt  }
0x6b: {  	_ =	shalt  }
0x6c: {  	_ =	shalt  }
0x6d: {  	_ =	shalt  }
0x6e: {  	_ =	shalt  }
0x6f: {  	_ =	shalt  }
0x70: {  	_ =	shalt  }
0x71: {  	_ =	shalt  }
0x72: {  	_ =	shalt  }
0x73: {  	_ =	shalt  }
0x74: {  	_ =	shalt  }
0x75: {  	_ =	shalt  }
0x76: {  	_ =	shalt  }
0x77: {  	_ =	shalt  }
0x78: {  	_ =	shalt  }
0x79: {  	_ =	shalt  }
0x7a: {  	_ =	shalt  }
0x7b: {  	_ =	shalt  }
0x7c: {  	_ =	shalt  }
0x7d: {  	_ =	shalt  }
0x7e: {  	_ =	shalt  }
0x7f: {  	_ =	shalt  }
0x80: {  	_ =	shalt  }
0x81: {  	_ =	shalt  }
0x82: {  	_ =	shalt  }
0x83: {  	_ =	shalt  }
0x84: {  	_ =	shalt  }
0x85: {  	_ =	shalt  }
0x86: {  	_ =	shalt  }
0x87: {  	_ =	shalt  }
.Lfunc_end0:
.L_simem_size_0:
called_computation_lowered:
.L_overlay_start_0:
0x88: {  	s2 =	sld [smem:$0x3FD9]  }
0x89: {  	s3 =	sld [smem:$0x3FFE];
	_ =	sdelay $0x1  }
0x8a: {  	s1 =	srdreg.scid  }
0x8b: {  	s0 =	sand.u32 $0x1, s1  }
0x8c: {  	s14 =	sshll.u32 s0, $0xA;
	s2 =	sadd.s32 s3, s2  }
0x8d: {  	s2 =	sadd.s32 s2, s14  }
0x8e: {  	[smem:$0x3FC4] =	sst s2  }
0x8f: {  	_ = 	snop  }
0x90: {  	s2 =	sld [smem:$0x3FD0];
	_ =	sdelay $0x2  }
0x91: {  	s4 =	simm.s32 $0xA;
	s5 =	simm.s32 $0x10;
	s15 =	sld [smem:$0x3FC6]  }
0x92: {  	[smem:s5], [sflag:s4] =	dma.local [hbm:s2], $0x1  }
0x93: {  	_ =	swait.eq [sflag:s4], $0x1  }
0x94: {  	[sflag:s4] =	ssyncset.done $0x0  }
0x95: {  	s16 =	sld [smem:$0x10];
	[sflag:s4] =	ssyncadd.s32 $0xFFFFFFFF  }
0x96: {  	s17 =	sld [smem:$0x11];
	(tm) =	ssettm $0x1  }
0x97: {  	s18 =	sld [smem:$0x3FFB];
	_ =	sdelay $0x3  }
0x98: {  	_ =	strace s18  }
0x99: {  	s5 =	sld [smem:$0x3FFC];
	_ =	sdelay $0x3  }
0x9a: {  	_ =	strace s5  }
0x9b: {  	s5 =	sld [smem:$0x3FFD];
	_ =	sdelay $0x3  }
0x9c: {  	_ =	strace s5  }
0x9d: {  	_ =	strace $0x8FFFFFFF  }
0x9e: {  	s19 =	sld [smem:$0x3FDB];
	_ =	sdelay $0x1  }
0x9f: {  	s6 =	simm.s32 $_scs_section_size  }
0xa0: {  	s7 =	simm.s32 $_size__tile_overlayer_lowered;
	s8 =	simm.s32 $_tile_overlayer_lowered  }
0xa1: {  	s22 =	simm.s32 $0x1BFF;
	s21 =	sshll.u32 s8, $0x1;
	s5 =	sadd.s32 s6, s19  }
0xa2: {  	s9 =	simm.s32 $0x0;
	s20 =	sshll.u32 s7, $0x1;
	s7 =	sadd.s32 s21, s5  }
0xa3: {  	[timem:s9], [sflag:s22] =	dma.local [hbm:s7], s20  }
0xa4: {  	_ =	swait.ge [sflag:s22], s20  }
0xa5: {  	s6 =	ssub.s32 $0x0, s20;
	[sflag:s22] =	ssyncset.done $0x0  }
0xa6: {  	[sflag:s22] =	ssyncadd.s32 s6;
	_ =	sdelay $0x1  }
0xa7: {  	s23 =	simm.s32 $0x1B8B  }
0xa8: {  	_ =	swait.ge [sflag:s23], $0x1  }
0xa9: {  	[sflag:s23] =	ssyncset.done $0x0  }
0xaa: {  	s25 =	simm.s32 $0x1B8E;
	s24 =	sld [smem:$0x3FFE];
	[sflag:s23] =	ssyncadd.s32 $0xFFFFFFFF  }
0xab: {  	s26 =	simm.s32 $execute0_lowered;
	[smem:$0x3FD2] =	sst s25  }
0xac: {  	s7 =	sshll.u32 s26, $0x1;
	_ =	strace $0x80000046;
	[dreg:$0x1] =	wrdreg $0xFFFFFFFF  }
0xad: {  	s28 =	simm.s32 $_size_execute0_lowered;
	s5 =	sadd.s32 s5, s7;
	[dreg:$0x0] =	wrdreg $0x0  }
0xae: {  	s7 =	sshll.u32 s28, $0x1;
	[dreg:$0x2] =	wrdreg s5  }
0xaf: {  	[dreg:$0x3] =	wrdreg s7  }
0xb0: {  	[dreg:$0x4] =	wrdreg $0xC0  }
0xb1: {  	_ =	task [dreg:s9], $0x5FFFF  }
0xb2: {  	[dreg:$0x1] =	wrdreg $0xFFFFFFFF  }
0xb3: {  	[dreg:$0x0] =	wrdreg $0x60  }
0xb4: {  	[dreg:$0x2] =	wrdreg s24  }
0xb5: {  	[dreg:$0x3] =	wrdreg s17  }
0xb6: {  	[dreg:$0x4] =	wrdreg s15  }
0xb7: {  	[dreg:$0x5] =	wrdreg s16  }
0xb8: {  	[dreg:$0x6] =	wrdreg $0x9  }
0xb9: {  	_ =	task.clear_ibuf [dreg:s9], $0x7FFFF;
	_ =	strace $0x90000046  }
0xba: {  	s29 =	simm.s32 $0x9;
	_ =	strace $0x80000048  }
0xbb: {  	_ =	swait.ge [sflag:s29], $0x1  }
0xbc: {  	[sflag:s29] =	ssyncadd.s32 $0xFFFFFFFF  }
0xbd: {  	_ =	strace $0x90000048  }
0xbe: {  	_ =	sfence  }
0xbf: {  	s30 =	sld [smem:$0x0];
	_ =	sdelay $0x2  }
0xc0: {  	s31 =	sshll.u32 s1, $0xD;
	s1 =	sshrl.u32 s1, $0x2  }
0xc1: {  	s3 =	sand.u32 $0x4000, s31;
	s1 =	sadd.s32 s1, s30  }
0xc2: {  	s0 =	sor.u32 s3, s0;
	s1 =	sshll.u32 s1, $0x11  }
0xc3: {  	s0 =	sor.u32 s1, s0  }
0xc4: {  	s0 =	sadd.s32 $0x8F2B, s0  }
0xc5: {  	[sflag:s0] =	ssyncadd.remote.s32 $0x1  }
0xc6: {  	_ =	sfence.sel $0xFFFF  }
0xc7: {  	[dreg:$0x0] =	wrdreg $0xFFFFFFFF;
	(pc) =	sbr.abs _section_cstart, $3  }
0xc8: {  	[dreg:$0x1] =	wrdreg $0xFFFFFFFF  }
0xc9: {  	_ =	task.clear_ibuf [dreg:s9], $0x2FFFF;
	_ =	strace $0x9FFFFFFF  }
0xca: {  	(tm) =	ssettm $0x7FFFFFFF  }
0xcb: {  	_ =	shalt  }
tec
execute0_lowered:
.L_overlay_start_1:
0x0: {  	(tag) =	ssettag $0x1  }
0x1: {  	s1 =	srdreg.scid;
	s9 =	rddreg [dreg:$0x0]  }
0x2: {  	s0 =	stileid.u32;
	s3 =	rddreg [dreg:$0x2]  }
0x3: {  	s10 =	rddreg [dreg:$0x3];
	s15 =	simm.s32 $0x1F00;
	s16 =	simm.s32 $0x2080  }
0x4: {  	s17 =	simm.s32 $0x2300;
	s18 =	simm.s32 $0x680;
	s21 =	simm.s32 $0x0  }
0x5: {  	s1 =	sand.u32 $0x1, s1;
	s2 =	sshll.u32 s0, $0x1;
	s14 =	smul.u32 $0xC00, s0  }
0x6: {  	s19 =	sor.u32 s1, s2;
	s6 =	ssub.s32 $0x2, s1;
	s1 =	smul.u32 $0x600, s1  }
0x7: {  	s31 =	sadd.s32 $0x5D00, s10;
	s2 =	rddreg [dreg:$0x1];
	s4 =	smul.u32 $0x600, s19  }
0x8: {  	s7 =	sshll.u32 s19, $0x4;
	s8 =	sshrl.u32 s6, $0x1;
	s11 =	smul.u32 $0x300, s19  }
0x9: {  	p0 =	seq.s32 s19, $0x1F;
	p1 =	sne.s32 s19, $0x0;
	s19 =	simm.s32 $0x2380  }
0xa: {  	v0 =	vlaneseq.u32;
	v1 =	vimm.s32 $0x604;
	v2 =	vimm.s32 $0x605;
	s12 =	sadd.s32 s7, s9;
	s13 =	ssub.s32 s6, s8;
	s6 =	sadd.s32 $0x18780C, s9  }
0xb: {  	v3 =	vimm.s32 $0x606;
	v4 =	vimm.s32 $0x607;
	v5 =	vimm.s32 $0x608;
	s8 =	sadd.s32 $0x27F0, s9;
	s1 =	sadd.s32 s1, s14;
	s14 =	simm.s32 $0x1  }
.Ltmp0:
0xc: {  	v6 =	vimm.s32 $0x609;
	v7 =	vimm.s32 $0x60A;
	v8 =	vimm.s32 $0x60B;
	s5 =	smax.u32 s4, $0x10;
	s4 =	simm.s32 $0x0;
	(pc) =	sbr.rel .LBB2_1-.Ltmp0, $4  }
0xd: {  	v11 =	vimm.s32 $0x304;
	v9 =	vimm.s32 $0x60C;
	v10 =	vimm.s32 $0x60D;
	s10 =	sadd.s32 s10, s11;
	s11 =	sadd.s32 $0x2600, s12;
	s5 =	sadd.s32 $0xFFFFFFF0, s5  }
0xe: {  	v12 =	vimm.s32 $0x60F;
	v0 =	vand.u32 $0x1, v0;
	v13 =	vunpack.c.0.s8.s32 v11;
	s12 =	smax.u32 s13, $0x1;
	[smem:$0x7FF] =	sst s4;
	s5 =	sshrl.u32 s5, $0x3  }
0xf: {  	vm0 =	vcmask $0xF00;
	v11 =	vimm.s32 $0x60E;
	v0 =	vor.u32 $0x4, v0;
	s13 =	smin.u32 s1, $0x10;
	_ =	strace $0x80000047;
	s5 =	sadd.s32 s5, s9  }
0x10: {  	v13 =	vnsel vm0, $0x0, v13;
	vm0 =	vcmask @!p1 $0x1F00;
	vm1 =	vcmask @!p1 $0x3F1C;
	[dreg:$0x5] =	wrdreg s31;
	s9 =	sadd.s32 $0x2800, s9;
	s5 =	sadd.s32 $0xE00, s5  }
.LBB2_5:
0x11: {  	_ =	sdelay $0x2  }
0x12: {  	v14 =	vld [tilespmem:$0x2000]  }
0x13: {  	v15 =	vld.idx.msk [tilespmem:v1+s4+$0x0], $0xffff  }
0x14: {  	v16 =	vld [tilespmem:$0x2080]  }
0x15: {  	v17 =	vld.idx.msk [tilespmem:v2+s4+$0x0], $0xffff  }
0x16: {  	v18 =	vld [tilespmem:$0x20B0]  }
0x17: {  	v19 =	vld.idx.msk [tilespmem:v3+s4+$0x0], $0xffff  }
0x18: {  	v20 =	vld [tilespmem:$0x20E0]  }
0x19: {  	v38 =	vld.idx.msk [tilespmem:v4+s4+$0x0], $0xffff;
	v15 =	vmul.f32 v16, v15  }
0x1a: {  	v21 =	vld [tilespmem:$0x2110]  }
0x1b: {  	v39 =	vld.idx.msk [tilespmem:v5+s4+$0x0], $0xffff;
	v14 =	vadd.f32 v15, v14;
	v15 =	vmul.f32 v18, v17  }
0x1c: {  	v40 =	vld [tilespmem:$0x2140]  }
0x1d: {  	v41 =	vld.idx.msk [tilespmem:v6+s4+$0x0], $0xffff;
	v14 =	vadd.f32 v15, v14;
	v15 =	vmul.f32 v20, v19  }
0x1e: {  	v42 =	vld [tilespmem:$0x2170]  }
0x1f: {  	v43 =	vld.idx.msk [tilespmem:v7+s4+$0x0], $0xffff;
	v14 =	vadd.f32 v15, v14;
	v15 =	vmul.f32 v21, v38  }
0x20: {  	v44 =	vld [tilespmem:$0x21A0]  }
0x21: {  	v45 =	vld.idx.msk [tilespmem:v8+s4+$0x0], $0xffff;
	v14 =	vadd.f32 v15, v14;
	v15 =	vmul.f32 v40, v39  }
0x22: {  	v46 =	vld [tilespmem:$0x21D0]  }
0x23: {  	v47 =	vld.idx.msk [tilespmem:v9+s4+$0x0], $0xffff;
	v14 =	vadd.f32 v15, v14;
	v15 =	vmul.f32 v42, v41  }
0x24: {  	v48 =	vld [tilespmem:$0x2200]  }
0x25: {  	v49 =	vld.idx.msk [tilespmem:v10+s4+$0x0], $0xffff;
	v14 =	vadd.f32 v15, v14;
	v15 =	vmul.f32 v44, v43  }
0x26: {  	v50 =	vld [tilespmem:$0x2230]  }
0x27: {  	v51 =	vld.idx.msk [tilespmem:v11+s4+$0x0], $0xffff;
	v14 =	vadd.f32 v15, v14;
	v15 =	vmul.f32 v46, v45  }
0x28: {  	v52 =	vld [tilespmem:$0x2260]  }
0x29: {  	v53 =	vld.idx.msk [tilespmem:v12+s4+$0x0], $0xffff;
	v14 =	vadd.f32 v15, v14;
	v15 =	vmul.f32 v48, v47  }
0x2a: {  	v54 =	vld [tilespmem:$0x2290]  }
0x2b: {  	v14 =	vadd.f32 v15, v14;
	v15 =	vmul.f32 v50, v49;
	_ =	sdelay $0x1  }
0x2c: {  	v55 =	vld [tilespmem:$0x1F30];
	v14 =	vadd.f32 v15, v14;
	v15 =	vmul.f32 v52, v51;
	_ =	sdelay $0x1  }
0x2d: {  	v14 =	vadd.f32 v15, v14;
	v15 =	vmul.f32 v54, v53;
	_ =	sdelay $0x1  }
0x2e: {  	v14 =	vadd.f32 v15, v14  }
0x2f: {  	v15 =	vmul.f32 $6.928203110e+00, v55  }
0x30: {  	v56 =	vld [tilespmem:$0x2090];
	[tilespmem:$0x1E80] =	vst v14  }
0x31: {  	v58 =	vld [tilespmem:$0x20C0];
	[tilespmem:$0x1EB0] =	vst v15  }
0x32: {  	v15 =	vld.idx.msk [tilespmem:v1+s4+$0x0], $0xffff  }
0x33: {  	v14 =	vld [tilespmem:$0x2010]  }
0x34: {  	v57 =	vld.idx.msk [tilespmem:v2+s4+$0x0], $0xffff  }
0x35: {  	v60 =	vld [tilespmem:$0x20F0]  }
0x36: {  	v59 =	vld.idx.msk [tilespmem:v3+s4+$0x0], $0xffff  }
0x37: {  	v62 =	vld [tilespmem:$0x2120];
	v15 =	vmul.f32 v56, v15  }
0x38: {  	v61 =	vld.idx.msk [tilespmem:v4+s4+$0x0], $0xffff  }
0x39: {  	v24 =	vld [tilespmem:$0x2150];
	v14 =	vadd.f32 v15, v14;
	v15 =	vmul.f32 v58, v57  }
0x3a: {  	v63 =	vld.idx.msk [tilespmem:v5+s4+$0x0], $0xffff  }
0x3b: {  	v26 =	vld [tilespmem:$0x2180];
	v14 =	vadd.f32 v15, v14;
	v15 =	vmul.f32 v60, v59  }
0x3c: {  	v25 =	vld.idx.msk [tilespmem:v6+s4+$0x0], $0xffff  }
0x3d: {  	v28 =	vld [tilespmem:$0x21B0];
	v14 =	vadd.f32 v15, v14;
	v15 =	vmul.f32 v62, v61  }
0x3e: {  	v27 =	vld.idx.msk [tilespmem:v7+s4+$0x0], $0xffff  }
0x3f: {  	v30 =	vld [tilespmem:$0x21E0];
	v14 =	vadd.f32 v15, v14;
	v15 =	vmul.f32 v24, v63  }
0x40: {  	v29 =	vld.idx.msk [tilespmem:v8+s4+$0x0], $0xffff  }
0x41: {  	v32 =	vld [tilespmem:$0x2210];
	v14 =	vadd.f32 v15, v14;
	v15 =	vmul.f32 v26, v25  }
0x42: {  	v31 =	vld.idx.msk [tilespmem:v9+s4+$0x0], $0xffff  }
0x43: {  	v34 =	vld [tilespmem:$0x2240];
	v14 =	vadd.f32 v15, v14;
	v15 =	vmul.f32 v28, v27  }
0x44: {  	v33 =	vld.idx.msk [tilespmem:v10+s4+$0x0], $0xffff  }
0x45: {  	v36 =	vld [tilespmem:$0x2270];
	v14 =	vadd.f32 v15, v14;
	v15 =	vmul.f32 v30, v29  }
0x46: {  	v35 =	vld.idx.msk [tilespmem:v11+s4+$0x0], $0xffff  }
0x47: {  	v38 =	vld [tilespmem:$0x22A0];
	v14 =	vadd.f32 v15, v14;
	v15 =	vmul.f32 v32, v31  }
0x48: {  	v37 =	vld.idx.msk [tilespmem:v12+s4+$0x0], $0xffff  }
0x49: {  	v14 =	vadd.f32 v15, v14;
	v15 =	vmul.f32 v34, v33;
	_ =	sdelay $0x1  }
0x4a: {  	v39 =	vld [tilespmem:$0x1F40];
	v14 =	vadd.f32 v15, v14;
	v15 =	vmul.f32 v36, v35;
	_ =	sdelay $0x1  }
0x4b: {  	v14 =	vadd.f32 v15, v14;
	v15 =	vmul.f32 v38, v37;
	_ =	sdelay $0x1  }
0x4c: {  	v14 =	vadd.f32 v15, v14  }
0x4d: {  	v15 =	vmul.f32 $6.928203110e+00, v39  }
0x4e: {  	v40 =	vld [tilespmem:$0x20A0];
	[tilespmem:$0x1E90] =	vst v14  }
0x4f: {  	v42 =	vld [tilespmem:$0x20D0];
	[tilespmem:$0x1EC0] =	vst v15  }
0x50: {  	v15 =	vld.idx.msk [tilespmem:v1+s4+$0x0], $0xffff  }
0x51: {  	v14 =	vld [tilespmem:$0x2020]  }
0x52: {  	v41 =	vld.idx.msk [tilespmem:v2+s4+$0x0], $0xffff  }
0x53: {  	v44 =	vld [tilespmem:$0x2100]  }
0x54: {  	v43 =	vld.idx.msk [tilespmem:v3+s4+$0x0], $0xffff  }
0x55: {  	v46 =	vld [tilespmem:$0x2130];
	v15 =	vmul.f32 v40, v15  }
0x56: {  	v45 =	vld.idx.msk [tilespmem:v4+s4+$0x0], $0xffff  }
0x57: {  	v48 =	vld [tilespmem:$0x2160];
	v14 =	vadd.f32 v15, v14;
	v15 =	vmul.f32 v42, v41  }
0x58: {  	v47 =	vld.idx.msk [tilespmem:v5+s4+$0x0], $0xffff  }
0x59: {  	v50 =	vld [tilespmem:$0x2190];
	v14 =	vadd.f32 v15, v14;
	v15 =	vmul.f32 v44, v43  }
0x5a: {  	v49 =	vld.idx.msk [tilespmem:v6+s4+$0x0], $0xffff  }
0x5b: {  	v52 =	vld [tilespmem:$0x21C0];
	v14 =	vadd.f32 v15, v14;
	v15 =	vmul.f32 v46, v45  }
0x5c: {  	v51 =	vld.idx.msk [tilespmem:v7+s4+$0x0], $0xffff  }
0x5d: {  	v54 =	vld [tilespmem:$0x21F0];
	v14 =	vadd.f32 v15, v14;
	v15 =	vmul.f32 v48, v47  }
0x5e: {  	v53 =	vld.idx.msk [tilespmem:v8+s4+$0x0], $0xffff  }
0x5f: {  	v56 =	vld [tilespmem:$0x2220];
	v14 =	vadd.f32 v15, v14;
	v15 =	vmul.f32 v50, v49  }
0x60: {  	v55 =	vld.idx.msk [tilespmem:v9+s4+$0x0], $0xffff  }
0x61: {  	v58 =	vld [tilespmem:$0x2250];
	v14 =	vadd.f32 v15, v14;
	v15 =	vmul.f32 v52, v51  }
0x62: {  	v57 =	vld.idx.msk [tilespmem:v10+s4+$0x0], $0xffff  }
0x63: {  	v60 =	vld [tilespmem:$0x2280];
	v14 =	vadd.f32 v15, v14;
	v15 =	vmul.f32 v54, v53  }
0x64: {  	v59 =	vld.idx.msk [tilespmem:v11+s4+$0x0], $0xffff  }
0x65: {  	v62 =	vld [tilespmem:$0x22B0];
	v14 =	vadd.f32 v15, v14;
	v15 =	vmul.f32 v56, v55  }
0x66: {  	v61 =	vld.idx.msk [tilespmem:v12+s4+$0x0], $0xffff  }
0x67: {  	v14 =	vadd.f32 v15, v14;
	v15 =	vmul.f32 v58, v57;
	_ =	sdelay $0x1  }
0x68: {  	v63 =	vld [tilespmem:$0x1F50];
	v14 =	vadd.f32 v15, v14;
	v15 =	vmul.f32 v60, v59;
	_ =	sdelay $0x1  }
0x69: {  	v14 =	vadd.f32 v15, v14;
	v15 =	vmul.f32 v62, v61;
	_ =	sdelay $0x1  }
0x6a: {  	v14 =	vadd.f32 v15, v14  }
0x6b: {  	[tilespmem:$0x2400] =	vst v13;
	v15 =	vmul.f32 $6.928203110e+00, v63  }
0x6c: {  	[tilespmem:$0x1EA0] =	vst v14  }
0x6d: {  	s0 =	rddreg [dreg:$0x5];
	[tilespmem:$0x1ED0] =	vst v15  }
0x6e: {  	[hbm4b:s0+s4] =	stream.linear.scatter [tilespmem:s18], [sflag:$0x1], $0x1860, $0x38;
	[tilespmem:$0x2480] =	vst v63  }
0x6f: {  	_ =	swait.ge [sflag:s14], $0x1860  }
0x70: {  	[sflag:s14] =	ssyncset.done $0x0  }
0x71: {  	[sflag:s14] =	ssyncadd.s32 $0xFFFFE7A0  }
0x72: {  	[hbm4b:s8+s4] =	stream.linear.scatter [tilespmem:s19], [sflag:$0x1], $0x80, $0x38;
	[tilespmem:$0x2480] =	vst v63  }
0x73: {  	_ =	swait.ge [sflag:s14], $0x80  }
0x74: {  	[sflag:s14] =	ssyncset.done $0x0  }
0x75: {  	s31 =	simm.s32 $0x2400;
	[sflag:s14] =	ssyncadd.s32 $0xFFFFFF80  }
0x76: {  	[hbm4b:s9+s4] =	stream.linear.scatter [tilespmem:s31], [sflag:$0x1], $0x2, $0x38;
	[tilespmem:$0x2480] =	vst v63  }
0x77: {  	_ =	swait.ge [sflag:s14], $0x2  }
0x78: {  	[sflag:s14] =	ssyncset.done $0x0  }
0x79: {  	[sflag:s14] =	ssyncadd.s32 $0xFFFFFFFE  }
.LBB2_6:
0x7a: {  	s21 =	sadd.s32 $0x1, s21  }
0x7b: {  	p2 =	sne.s32 s21, s12  }
.Ltmp1:
0x7c: {  	_ = 	snop;
	(pc) =	sbr.rel @!p2 .LBB2_7-.Ltmp1, $1  }
0x7d: {  	_ =	sdelay $0x3  }
.LBB2_1:
0x7e: {  	[tilespmem:s4], [sflag:$0x1] =	stream.linear.gather [hbm4b:s5+s4], $0x610, $0x38;
	[tilespmem:$0x2480] =	vst v63  }
0x7f: {  	_ =	swait.ge [sflag:s14], $0x610  }
0x80: {  	[sflag:s14] =	ssyncset.done $0x0  }
0x81: {  	[sflag:s14] =	ssyncadd.s32 $0xFFFFF9F0  }
0x82: {  	[tilespmem:s15], [sflag:$0x1] =	stream.linear.gather [hbm4b:s6+s4], $0xC0, $0x38;
	[tilespmem:$0x2480] =	vst v63  }
0x83: {  	_ =	swait.ge [sflag:s14], $0xC0  }
0x84: {  	[sflag:s14] =	ssyncset.done $0x0  }
0x85: {  	[sflag:s14] =	ssyncadd.s32 $0xFFFFFF40  }
0x86: {  	[tilespmem:s16], [sflag:$0x1] =	stream.linear.gather [hbm4b:s2+s4], $0x280, $0x38;
	[tilespmem:$0x2480] =	vst v63  }
0x87: {  	_ =	swait.ge [sflag:s14], $0x280  }
0x88: {  	[sflag:s14] =	ssyncset.done $0x0  }
0x89: {  	[sflag:s14] =	ssyncadd.s32 $0xFFFFFD80  }
0x8a: {  	[tilespmem:s17], [sflag:$0x1] =	stream.linear.gather [hbm4b:s3+s4], $0x80, $0x38;
	[tilespmem:$0x2480] =	vst v63  }
0x8b: {  	_ =	swait.ge [sflag:s14], $0x80  }
0x8c: {  	[sflag:s14] =	ssyncset.done $0x0  }
0x8d: {  	[sflag:s14] =	ssyncadd.s32 $0xFFFFFF80  }
0x8e: {  	v14 =	vld [tilespmem:$0x2300]  }
0x8f: {  	v15 =	vld [tilespmem:$0x1F60]  }
0x90: {  	v16 =	vld [tilespmem:$0x1F90]  }
0x91: {  	v17 =	vld [tilespmem:$0x1F70]  }
0x92: {  	v18 =	vld [tilespmem:$0x1FA0]  }
0x93: {  	v19 =	vld [tilespmem:$0x2310];
	_ =	sdelay $0x1  }
0x94: {  	s22 =	sadd.s32 $0x0, s13;
	v20 =	vld [tilespmem:$0x1F80];
	v15 =	vmul.f32 $6.928203110e+00, v15  }
0x95: {  	s1 =	sadd.s32 $0xFFFFFFF4, s22;
	v21 =	vld [tilespmem:$0x1FB0];
	v16 =	vmul.f32 $6.928203110e+00, v16;
	v17 =	vmul.f32 $6.928203110e+00, v17  }
0x96: {  	v23 =	vmov s1;
	v22 =	vld [tilespmem:$0x2320];
	v18 =	vmul.f32 $6.928203110e+00, v18;
	v15 =	vadd.f32 v15, v14  }
0x97: {  	s24 =	sadd.s32 $0xFFFFFFF5, s22;
	vm2 =	vgt.s32 v23, $0x0;
	v14 =	vadd.f32 v16, v14;
	v16 =	vadd.f32 v17, v19  }
0x98: {  	v17 =	vadd.f32 v18, v19;
	v18 =	vmov s24;
	v19 =	vnsel vm2, $0x0, v23  }
0x99: {  	s25 =	sadd.s32 $0xFFFFFFF6, s22;
	vm2 =	vgt.s32 v18, $0x0;
	v19 =	vbroadcast v19, $0x0;
	[tilespmem:$0x2000] =	vst v15;
	v15 =	vmul.f32 $6.928203110e+00, v20  }
0x9a: {  	[tilespmem:$0x2030] =	vst v14;
	v14 =	vmul.f32 $6.928203110e+00, v21;
	v20 =	vmov s25;
	v18 =	vnsel vm2, $0x0, v18  }
0x9b: {  	s26 =	sadd.s32 $0xFFFFFFF7, s22;
	[tilespmem:$0x2010] =	vst v16;
	vm2 =	vgt.s32 v20, $0x0;
	v16 =	vbroadcast v18, $0x0;
	v15 =	vadd.f32 v15, v22  }
0x9c: {  	[tilespmem:$0x2040] =	vst v17;
	v18 =	vmov s26;
	v14 =	vadd.f32 v14, v22;
	v17 =	vnsel vm2, $0x0, v20  }
0x9d: {  	s23 =	sand.u32 $0x1, s4;
	s0 =	sadd.s32 $0xFFFFFFF8, s22;
	v21 =	vld [tilespmem:$0x2080];
	vm2 =	vgt.s32 v18, $0x0;
	[tilespmem:$0x2020] =	vst v15;
	v15 =	vbroadcast v17, $0x0  }
0x9e: {  	p2 =	seq.s32 s23, $0x1;
	s23 =	simm.s32 $0x30;
	v20 =	vld [tilespmem:$0x20B0];
	v18 =	vnsel vm2, $0x0, v18;
	[tilespmem:$0x2050] =	vst v14;
	v17 =	vmov s0  }
0x9f: {  	s7 =	sadd.s32 $0xFFFFFFF9, s22;
	s23 =	simm.s32 @!p2 $0x0;
	v18 =	vbroadcast v18, $0x0;
	vm2 =	vgt.s32 v17, $0x0;
	v14 =	vld.idx.msk [tilespmem:v19+s4+$0x0], $0xffff  }
0xa0: {  	v19 =	vmov s7;
	v24 =	vld [tilespmem:s23+$0x2000];
	v17 =	vnsel vm2, $0x0, v17  }
0xa1: {  	s20 =	sadd.s32 $0xFFFFFFFA, s22;
	vm2 =	vgt.s32 v19, $0x0;
	v16 =	vld.idx.msk [tilespmem:v16+s4+$0x0], $0xffff;
	v17 =	vbroadcast v17, $0x0  }
0xa2: {  	v26 =	vld [tilespmem:$0x20E0];
	v22 =	vmov s20;
	v19 =	vnsel vm2, $0x0, v19  }
0xa3: {  	s24 =	sadd.s32 $0xFFFFFFFB, s22;
	vm2 =	vgt.s32 v22, $0x0;
	v19 =	vbroadcast v19, $0x0;
	v15 =	vld.idx.msk [tilespmem:v15+s4+$0x0], $0xffff  }
0xa4: {  	v27 =	vld [tilespmem:$0x2110];
	v23 =	vmov s24;
	s25 =	sadd.s32 $0xFFFFFFFC, s22;
	v22 =	vnsel vm2, $0x0, v22;
	v21 =	vmul.f32 v21, v14  }
0xa5: {  	vm3 =	vgt.s32 v23, $0x0;
	v25 =	vmov s25;
	v22 =	vbroadcast v22, $0x0;
	v18 =	vld.idx.msk [tilespmem:v18+s4+$0x0], $0xffff  }
0xa6: {  	v40 =	vld [tilespmem:$0x2140];
	s24 =	sadd.s32 $0xFFFFFFFD, s22;
	v23 =	vnsel vm3, $0x0, v23;
	v21 =	vadd.f32 v21, v24;
	v20 =	vmul.f32 v20, v16  }
0xa7: {  	v28 =	vmov s24;
	vm4 =	vgt.s32 v25, $0x0;
	v23 =	vbroadcast v23, $0x0;
	v17 =	vld.idx.msk [tilespmem:v17+s4+$0x0], $0xffff  }
0xa8: {  	v30 =	vld [tilespmem:$0x2170];
	s25 =	sadd.s32 $0xFFFFFFFE, s22;
	v25 =	vnsel vm4, $0x0, v25;
	v20 =	vadd.f32 v20, v21;
	v21 =	vmul.f32 v26, v15  }
0xa9: {  	v29 =	vmov s25;
	v39 =	vbroadcast v25, $0x0;
	vm2 =	vgt.s32 v28, $0x0;
	v19 =	vld.idx.msk [tilespmem:v19+s4+$0x0], $0xffff  }
0xaa: {  	v44 =	vld [tilespmem:$0x21A0];
	s22 =	sadd.s32 $0xFFFFFFFF, s22;
	v41 =	vnsel vm2, $0x0, v28;
	v20 =	vadd.f32 v21, v20;
	v21 =	vmul.f32 v27, v18  }
0xab: {  	v42 =	vmov s22;
	vm2 =	vgt.s32 v29, $0x0;
	v26 =	vbroadcast v41, $0x0;
	v22 =	vld.idx.msk [tilespmem:v22+s4+$0x0], $0xffff  }
0xac: {  	v46 =	vld [tilespmem:$0x21D0];
	v43 =	vnsel vm2, $0x0, v29;
	v20 =	vadd.f32 v21, v20;
	v21 =	vmul.f32 v40, v17  }
0xad: {  	v23 =	vld.idx.msk [tilespmem:v23+s4+$0x0], $0xffff;
	vm2 =	vgt.s32 v42, $0x0;
	v27 =	vbroadcast v43, $0x0  }
0xae: {  	v47 =	vld [tilespmem:$0x2200];
	v45 =	vnsel vm2, $0x0, v42;
	v20 =	vadd.f32 v21, v20;
	v21 =	vmul.f32 v30, v19  }
0xaf: {  	v25 =	vbroadcast v45, $0x0;
	v24 =	vld.idx.msk [tilespmem:v39+s4+$0x0], $0xffff  }
0xb0: {  	v48 =	vld [tilespmem:$0x2230];
	v20 =	vadd.f32 v21, v20;
	v21 =	vmul.f32 v44, v22  }
0xb1: {  	v26 =	vld.idx.msk [tilespmem:v26+s4+$0x0], $0xffff  }
0xb2: {  	v49 =	vld [tilespmem:$0x2260];
	v20 =	vadd.f32 v21, v20;
	v21 =	vmul.f32 v46, v23  }
0xb3: {  	v27 =	vld.idx.msk [tilespmem:v27+s4+$0x0], $0xffff  }
0xb4: {  	v50 =	vld [tilespmem:$0x2290];
	v20 =	vadd.f32 v21, v20;
	v21 =	vmul.f32 v47, v24  }
0xb5: {  	v25 =	vld.idx.msk [tilespmem:v25+s4+$0x0], $0xffff  }
0xb6: {  	v20 =	vadd.f32 v21, v20;
	v21 =	vmul.f32 v48, v26;
	_ =	sdelay $0x1  }
0xb7: {  	v20 =	vadd.f32 v21, v20;
	v21 =	vmul.f32 v49, v27;
	_ =	sdelay $0x1  }
0xb8: {  	v20 =	vadd.f32 v21, v20;
	v21 =	vmul.f32 v50, v25;
	_ =	sdelay $0x1  }
0xb9: {  	v20 =	vadd.f32 v21, v20  }
0xba: {  	s22 =	simm.s32 $0x690  }
0xbb: {  	[tilespmem:s22+$0xFFFFFFF0] =	vst v20  }
0xbc: {  	v20 =	vld [tilespmem:$0x2090]  }
0xbd: {  	v21 =	vld [tilespmem:$0x20C0]  }
0xbe: {  	v51 =	vld [tilespmem:s23+$0x2010];
	_ =	sdelay $0x1  }
0xbf: {  	v52 =	vld [tilespmem:$0x20F0]  }
0xc0: {  	v20 =	vmul.f32 v20, v14  }
0xc1: {  	v53 =	vld [tilespmem:$0x2120]  }
0xc2: {  	v21 =	vmul.f32 v21, v16;
	v20 =	vadd.f32 v20, v51  }
0xc3: {  	v54 =	vld [tilespmem:$0x2150]  }
0xc4: {  	v20 =	vadd.f32 v21, v20;
	v21 =	vmul.f32 v52, v15  }
0xc5: {  	v55 =	vld [tilespmem:$0x2180]  }
0xc6: {  	v20 =	vadd.f32 v21, v20;
	v21 =	vmul.f32 v53, v18  }
0xc7: {  	v56 =	vld [tilespmem:$0x21B0]  }
0xc8: {  	v20 =	vadd.f32 v21, v20;
	v21 =	vmul.f32 v54, v17  }
0xc9: {  	v57 =	vld [tilespmem:$0x21E0]  }
0xca: {  	v20 =	vadd.f32 v21, v20;
	v21 =	vmul.f32 v55, v19  }
0xcb: {  	v58 =	vld [tilespmem:$0x2210]  }
0xcc: {  	v20 =	vadd.f32 v21, v20;
	v21 =	vmul.f32 v56, v22  }
0xcd: {  	v59 =	vld [tilespmem:$0x2240]  }
0xce: {  	v20 =	vadd.f32 v21, v20;
	v21 =	vmul.f32 v57, v23  }
0xcf: {  	v60 =	vld [tilespmem:$0x2270]  }
0xd0: {  	v20 =	vadd.f32 v21, v20;
	v21 =	vmul.f32 v58, v24  }
0xd1: {  	v61 =	vld [tilespmem:$0x22A0]  }
0xd2: {  	v20 =	vadd.f32 v21, v20;
	v21 =	vmul.f32 v59, v26;
	_ =	sdelay $0x1  }
0xd3: {  	v20 =	vadd.f32 v21, v20;
	v21 =	vmul.f32 v60, v27;
	_ =	sdelay $0x1  }
0xd4: {  	v20 =	vadd.f32 v21, v20;
	v21 =	vmul.f32 v61, v25;
	_ =	sdelay $0x1  }
0xd5: {  	v20 =	vadd.f32 v21, v20;
	_ =	sdelay $0x1  }
0xd6: {  	[tilespmem:s22+$0x0] =	vst v20  }
0xd7: {  	v20 =	vld [tilespmem:$0x20A0]  }
0xd8: {  	v21 =	vld [tilespmem:$0x20D0]  }
0xd9: {  	v62 =	vld [tilespmem:s23+$0x2020];
	_ =	sdelay $0x1  }
0xda: {  	v63 =	vld [tilespmem:$0x2100]  }
0xdb: {  	v14 =	vmul.f32 v20, v14  }
0xdc: {  	v20 =	vld [tilespmem:$0x2130]  }
0xdd: {  	v16 =	vmul.f32 v21, v16;
	v14 =	vadd.f32 v14, v62  }
0xde: {  	v21 =	vld [tilespmem:$0x2160]  }
0xdf: {  	v15 =	vmul.f32 v63, v15;
	v14 =	vadd.f32 v16, v14  }
0xe0: {  	v16 =	vld [tilespmem:$0x2190]  }
0xe1: {  	v18 =	vmul.f32 v20, v18;
	v14 =	vadd.f32 v15, v14  }
0xe2: {  	v15 =	vld [tilespmem:$0x21C0]  }
0xe3: {  	v17 =	vmul.f32 v21, v17;
	v14 =	vadd.f32 v18, v14  }
0xe4: {  	v18 =	vld [tilespmem:$0x21F0]  }
0xe5: {  	v16 =	vmul.f32 v16, v19;
	v14 =	vadd.f32 v17, v14  }
0xe6: {  	v20 =	vld [tilespmem:$0x2220]  }
0xe7: {  	v19 =	vld [tilespmem:$0x2280];
	v15 =	vmul.f32 v15, v22;
	v14 =	vadd.f32 v16, v14  }
0xe8: {  	v17 =	vld [tilespmem:$0x2250]  }
0xe9: {  	v16 =	vld [tilespmem:$0x22B0];
	v18 =	vmul.f32 v18, v23;
	v14 =	vadd.f32 v15, v14  }
0xea: {  	s1 =	sadd.s32 $0xC, s13  }
0xeb: {  	s20 =	sadd.s32 $0xFFFFFFF7, s1;
	v15 =	vmul.f32 v20, v24;
	v14 =	vadd.f32 v18, v14  }
0xec: {  	v21 =	vmov s20  }
0xed: {  	s26 =	sadd.s32 $0xFFFFFFF4, s1;
	s0 =	sadd.s32 $0xFFFFFFF5, s1;
	v17 =	vmul.f32 v17, v26;
	v18 =	vmul.f32 v19, v27;
	v14 =	vadd.f32 v15, v14  }
0xee: {  	v19 =	vmul.f32 v16, v25;
	v16 =	vmov s0;
	v15 =	vmov s26  }
0xef: {  	s7 =	sadd.s32 $0xFFFFFFF6, s1;
	vm3 =	vgt.s32 v16, $0x0;
	vm2 =	vgt.s32 v15, $0x0;
	v17 =	vadd.f32 v17, v14  }
0xf0: {  	v20 =	vmov s7;
	v14 =	vnsel vm2, $0x0, v15;
	v15 =	vnsel vm3, $0x0, v16  }
0xf1: {  	s31 =	sadd.s32 $0xFFFFFFFB, s1;
	vm2 =	vgt.s32 v20, $0x0;
	v14 =	vbroadcast v14, $0x0;
	v17 =	vadd.f32 v18, v17  }
0xf2: {  	s30 =	sadd.s32 $0xFFFFFFFD, s1;
	s29 =	sadd.s32 $0xFFFFFFFE, s1;
	s26 =	sadd.s32 $0xFFFFFFF8, s1;
	v15 =	vbroadcast v15, $0x0;
	v16 =	vnsel vm2, $0x0, v20;
	vm2 =	vgt.s32 v21, $0x0  }
0xf3: {  	s28 =	sadd.s32 $0xFFFFFFFF, s1;
	s24 =	simm.s32 $0x18;
	s0 =	sadd.s32 $0xFFFFFFF9, s1;
	v18 =	vmov s26;
	v16 =	vbroadcast v16, $0x0;
	v20 =	vadd.f32 v19, v17  }
0xf4: {  	s25 =	sadd.s32 $0xFFFFFFFA, s1;
	s23 =	simm.s32 $0x0;
	s26 =	sadd.s32 $0xFFFFFFFC, s1;
	v19 =	vnsel vm2, $0x0, v21;
	vm2 =	vgt.s32 v18, $0x0;
	v17 =	vmov s0  }
.LBB2_2:
0xf5: {  	s23 =	sadd.s32 $0x1, s23  }
0xf6: {  	v21 =	vmov s25;
	v22 =	vmov s31;
	v23 =	vmov s26;
	[tilespmem:s22+$0x10] =	vst v20;
	s22 =	sadd.s32 $0x30, s22;
	s25 =	smov.u32 s24;
	s1 =	sadd.s32 $0xC, s24  }
0xf7: {  	p2 =	sne.s32 s24, $0x5F4;
	vm3 =	vgt.s32 v21, $0x0;
	vm4 =	vgt.s32 v22, $0x0;
	vm5 =	vgt.s32 v23, $0x0;
	v20 =	vld [tilespmem:$0x20B0]  }
0xf8: {  	v19 =	vbroadcast v19, $0x0;
	s0 =	sand.u32 $0x1, s23;
	v21 =	vnsel vm3, $0x0, v21;
	v22 =	vnsel vm4, $0x0, v22;
	v14 =	vld.idx.msk [tilespmem:v14+s4+$0x0], $0xffff  }
0xf9: {  	v18 =	vnsel vm2, $0x0, v18;
	s26 =	simm.s32 $0x30;
	p3 =	seq.s32 s0, $0x1;
	v21 =	vbroadcast v21, $0x0;
	v22 =	vbroadcast v22, $0x0;
	v24 =	vld [tilespmem:$0x2080]  }
0xfa: {  	vm2 =	vgt.s32 v17, $0x0;
	v18 =	vbroadcast v18, $0x0;
	v23 =	vnsel vm5, $0x0, v23;
	s26 =	simm.s32 @!p3 $0x0;
	v15 =	vld.idx.msk [tilespmem:v15+s4+$0x0], $0xffff  }
0xfb: {  	v25 =	vmov s30;
	v17 =	vnsel vm2, $0x0, v17;
	v23 =	vbroadcast v23, $0x0;
	v26 =	vld [tilespmem:s26+$0x2000]  }
0xfc: {  	v27 =	vmov s29;
	vm2 =	vgt.s32 v25, $0x0;
	v28 =	vbroadcast v17, $0x0;
	v16 =	vld.idx.msk [tilespmem:v16+s4+$0x0], $0xffff  }
0xfd: {  	v29 =	vmov s28;
	v25 =	vnsel vm2, $0x0, v25;
	vm2 =	vgt.s32 v27, $0x0;
	v30 =	vld [tilespmem:$0x20E0]  }
0xfe: {  	v27 =	vnsel vm2, $0x0, v27;
	v25 =	vbroadcast v25, $0x0;
	v17 =	vld.idx.msk [tilespmem:v19+s4+$0x0], $0xffff;
	v19 =	vmul.f32 v24, v14  }
0xff: {  	vm2 =	vgt.s32 v29, $0x0;
	v24 =	vbroadcast v27, $0x0;
	v27 =	vld [tilespmem:$0x2110]  }
0x100: {  	v29 =	vnsel vm2, $0x0, v29;
	v20 =	vmul.f32 v20, v15;
	v18 =	vld.idx.msk [tilespmem:v18+s4+$0x0], $0xffff;
	v26 =	vadd.f32 v19, v26  }
0x101: {  	v29 =	vbroadcast v29, $0x0;
	v31 =	vld [tilespmem:$0x2140]  }
0x102: {  	v19 =	vld.idx.msk [tilespmem:v28+s4+$0x0], $0xffff;
	v26 =	vadd.f32 v20, v26;
	v28 =	vmul.f32 v30, v16  }
0x103: {  	v30 =	vld [tilespmem:$0x2170]  }
0x104: {  	v20 =	vld.idx.msk [tilespmem:v21+s4+$0x0], $0xffff;
	v26 =	vadd.f32 v28, v26;
	v27 =	vmul.f32 v27, v17  }
0x105: {  	v28 =	vld [tilespmem:$0x21A0]  }
0x106: {  	v21 =	vld.idx.msk [tilespmem:v22+s4+$0x0], $0xffff;
	v26 =	vadd.f32 v27, v26;
	v27 =	vmul.f32 v31, v18  }
0x107: {  	v31 =	vld [tilespmem:$0x21D0]  }
0x108: {  	v22 =	vld.idx.msk [tilespmem:v23+s4+$0x0], $0xffff;
	v26 =	vadd.f32 v27, v26;
	v27 =	vmul.f32 v30, v19  }
0x109: {  	v30 =	vld [tilespmem:$0x2200]  }
0x10a: {  	v23 =	vld.idx.msk [tilespmem:v25+s4+$0x0], $0xffff;
	v25 =	vadd.f32 v27, v26;
	v26 =	vmul.f32 v28, v20  }
0x10b: {  	v27 =	vld [tilespmem:$0x2230]  }
0x10c: {  	v24 =	vld.idx.msk [tilespmem:v24+s4+$0x0], $0xffff;
	v26 =	vadd.f32 v26, v25;
	v28 =	vmul.f32 v31, v21  }
0x10d: {  	v31 =	vld [tilespmem:$0x2260]  }
0x10e: {  	v25 =	vld.idx.msk [tilespmem:v29+s4+$0x0], $0xffff;
	v26 =	vadd.f32 v28, v26;
	v28 =	vmul.f32 v30, v22  }
0x10f: {  	v29 =	vld [tilespmem:$0x2290]  }
0x110: {  	v26 =	vadd.f32 v28, v26;
	v27 =	vmul.f32 v27, v23;
	_ =	sdelay $0x1  }
0x111: {  	v26 =	vadd.f32 v27, v26;
	v27 =	vmul.f32 v31, v24;
	_ =	sdelay $0x1  }
0x112: {  	v26 =	vadd.f32 v27, v26;
	v27 =	vmul.f32 v29, v25;
	_ =	sdelay $0x1  }
0x113: {  	v26 =	vadd.f32 v27, v26;
	_ =	sdelay $0x1  }
0x114: {  	[tilespmem:s22+$0xFFFFFFF0] =	vst v26  }
0x115: {  	v26 =	vld [tilespmem:$0x2090]  }
0x116: {  	v27 =	vld [tilespmem:$0x20C0]  }
0x117: {  	v28 =	vld [tilespmem:s26+$0x2010];
	_ =	sdelay $0x1  }
0x118: {  	v29 =	vld [tilespmem:$0x20F0]  }
0x119: {  	v26 =	vmul.f32 v26, v14  }
0x11a: {  	v27 =	vmul.f32 v27, v15;
	v30 =	vld [tilespmem:$0x2120]  }
0x11b: {  	v26 =	vadd.f32 v26, v28  }
0x11c: {  	v28 =	vld [tilespmem:$0x2150]  }
0x11d: {  	v26 =	vadd.f32 v27, v26;
	v27 =	vmul.f32 v29, v16  }
0x11e: {  	v29 =	vld [tilespmem:$0x2180]  }
0x11f: {  	v26 =	vadd.f32 v27, v26;
	v27 =	vmul.f32 v30, v17  }
0x120: {  	v30 =	vld [tilespmem:$0x21B0]  }
0x121: {  	v26 =	vadd.f32 v27, v26;
	v27 =	vmul.f32 v28, v18  }
0x122: {  	v28 =	vld [tilespmem:$0x21E0]  }
0x123: {  	v26 =	vadd.f32 v27, v26;
	v27 =	vmul.f32 v29, v19  }
0x124: {  	v29 =	vld [tilespmem:$0x2210]  }
0x125: {  	v26 =	vadd.f32 v27, v26;
	v27 =	vmul.f32 v30, v20  }
0x126: {  	v30 =	vld [tilespmem:$0x2240]  }
0x127: {  	v26 =	vadd.f32 v27, v26;
	v27 =	vmul.f32 v28, v21  }
0x128: {  	v28 =	vld [tilespmem:$0x2270]  }
0x129: {  	v26 =	vadd.f32 v27, v26;
	v27 =	vmul.f32 v29, v22  }
0x12a: {  	v29 =	vld [tilespmem:$0x22A0]  }
0x12b: {  	v26 =	vadd.f32 v27, v26;
	v27 =	vmul.f32 v30, v23;
	_ =	sdelay $0x1  }
0x12c: {  	v26 =	vadd.f32 v27, v26;
	v27 =	vmul.f32 v28, v24;
	_ =	sdelay $0x1  }
0x12d: {  	v26 =	vadd.f32 v27, v26;
	v27 =	vmul.f32 v29, v25;
	_ =	sdelay $0x1  }
0x12e: {  	v26 =	vadd.f32 v27, v26;
	_ =	sdelay $0x1  }
0x12f: {  	[tilespmem:s22+$0x0] =	vst v26  }
0x130: {  	v26 =	vld [tilespmem:$0x20A0]  }
0x131: {  	v27 =	vld [tilespmem:$0x20D0]  }
0x132: {  	v28 =	vld [tilespmem:s26+$0x2020]  }
0x133: {  	v29 =	vld [tilespmem:$0x2100]  }
0x134: {  	v30 =	vld [tilespmem:$0x2130]  }
0x135: {  	v14 =	vmul.f32 v26, v14;
	v26 =	vld [tilespmem:$0x2160]  }
0x136: {  	v15 =	vmul.f32 v27, v15;
	v27 =	vld [tilespmem:$0x2190]  }
0x137: {  	v14 =	vadd.f32 v14, v28;
	v28 =	vld [tilespmem:$0x21C0]  }
0x138: {  	v16 =	vmul.f32 v29, v16;
	v29 =	vld [tilespmem:$0x21F0]  }
0x139: {  	v14 =	vadd.f32 v15, v14;
	v15 =	vmul.f32 v30, v17;
	v17 =	vld [tilespmem:$0x2220]  }
0x13a: {  	v18 =	vmul.f32 v26, v18;
	v26 =	vld [tilespmem:$0x2250]  }
0x13b: {  	v14 =	vadd.f32 v16, v14;
	v16 =	vmul.f32 v27, v19;
	v19 =	vld [tilespmem:$0x2280]  }
0x13c: {  	v20 =	vmul.f32 v28, v20;
	v27 =	vld [tilespmem:$0x22B0]  }
0x13d: {  	v14 =	vadd.f32 v15, v14;
	v15 =	vmul.f32 v29, v21  }
0x13e: {  	v17 =	vmul.f32 v17, v22  }
0x13f: {  	v14 =	vadd.f32 v18, v14;
	v18 =	vmul.f32 v26, v23  }
0x140: {  	v19 =	vmul.f32 v19, v24  }
0x141: {  	v14 =	vadd.f32 v16, v14;
	v21 =	vmul.f32 v27, v25;
	_ =	sdelay $0x1  }
0x142: {  	v14 =	vadd.f32 v20, v14;
	_ =	sdelay $0x1  }
0x143: {  	v14 =	vadd.f32 v15, v14  }
0x144: {  	s0 =	sadd.s32 s25, s13  }
0x145: {  	s24 =	sadd.s32 $0xFFFFFFF4, s0;
	s25 =	sadd.s32 $0xFFFFFFF5, s0;
	s26 =	sadd.s32 $0xFFFFFFF6, s0;
	v14 =	vadd.f32 v17, v14  }
0x146: {  	s20 =	sadd.s32 $0xFFFFFFF8, s0;
	s7 =	sadd.s32 $0xFFFFFFF9, s0;
	v16 =	vmov s25;
	v15 =	vmov s24;
	s24 =	sadd.s32 $0xFFFFFFF7, s0;
	v17 =	vmov s26  }
0x147: {  	s31 =	sadd.s32 $0xFFFFFFFB, s0;
	s25 =	sadd.s32 $0xFFFFFFFA, s0;
	vm3 =	vgt.s32 v16, $0x0;
	vm2 =	vgt.s32 v15, $0x0;
	s26 =	sadd.s32 $0xFFFFFFFC, s0;
	v18 =	vadd.f32 v18, v14  }
.Ltmp2:
0x148: {  	s30 =	sadd.s32 $0xFFFFFFFD, s0;
	s29 =	sadd.s32 $0xFFFFFFFE, s0;
	v14 =	vnsel vm2, $0x0, v15;
	v15 =	vnsel vm3, $0x0, v16;
	vm2 =	vgt.s32 v17, $0x0;
	(pc) =	sbr.rel @p2 .LBB2_2-.Ltmp2, $4  }
0x149: {  	s28 =	sadd.s32 $0xFFFFFFFF, s0;
	v14 =	vbroadcast v14, $0x0;
	v15 =	vbroadcast v15, $0x0;
	v19 =	vadd.f32 v19, v18  }
0x14a: {  	v16 =	vnsel vm2, $0x0, v17;
	v17 =	vmov s24;
	v18 =	vmov s20  }
0x14b: {  	vm2 =	vgt.s32 v17, $0x0;
	v16 =	vbroadcast v16, $0x0;
	v20 =	vadd.f32 v21, v19  }
0x14c: {  	s24 =	smov.u32 s1;
	v19 =	vnsel vm2, $0x0, v17;
	vm2 =	vgt.s32 v18, $0x0;
	v17 =	vmov s7  }
0x14d: {  	_ =	sdelay $0x1  }
0x14e: {  	[tilespmem:s22+$0x10] =	vst v20  }
0x14f: {  	s0 =	sadd.s32 $0x1, s23;
	v20 =	vld [tilespmem:$0x20B0]  }
0x150: {  	s0 =	sand.u32 $0x1, s0;
	v14 =	vld.idx.msk [tilespmem:v14+s4+$0x0], $0xffff  }
0x151: {  	v19 =	vbroadcast v19, $0x0;
	s23 =	simm.s32 $0x30;
	v21 =	vld [tilespmem:$0x2080];
	p2 =	seq.s32 s0, $0x1  }
0x152: {  	v18 =	vnsel vm2, $0x0, v18;
	v15 =	vld.idx.msk [tilespmem:v15+s4+$0x0], $0xffff;
	s23 =	simm.s32 @!p2 $0x0  }
0x153: {  	vm2 =	vgt.s32 v17, $0x0;
	v18 =	vbroadcast v18, $0x0;
	v24 =	vld [tilespmem:s23+$0x2000]  }
0x154: {  	v22 =	vmov s25;
	v17 =	vnsel vm2, $0x0, v17;
	v16 =	vld.idx.msk [tilespmem:v16+s4+$0x0], $0xffff  }
0x155: {  	vm2 =	vgt.s32 v22, $0x0;
	v26 =	vld [tilespmem:$0x20E0];
	v17 =	vbroadcast v17, $0x0  }
0x156: {  	v23 =	vmov s31;
	v27 =	vld [tilespmem:$0x2110];
	v22 =	vnsel vm2, $0x0, v22;
	v21 =	vmul.f32 v21, v14  }
0x157: {  	v25 =	vmov s26;
	vm3 =	vgt.s32 v23, $0x0;
	v22 =	vbroadcast v22, $0x0;
	v19 =	vld.idx.msk [tilespmem:v19+s4+$0x0], $0xffff  }
0x158: {  	v41 =	vld [tilespmem:$0x2140];
	v23 =	vnsel vm3, $0x0, v23;
	v20 =	vmul.f32 v20, v15;
	v21 =	vadd.f32 v21, v24  }
0x159: {  	v28 =	vmov s30;
	vm4 =	vgt.s32 v25, $0x0;
	v23 =	vbroadcast v23, $0x0;
	v18 =	vld.idx.msk [tilespmem:v18+s4+$0x0], $0xffff  }
0x15a: {  	v30 =	vld [tilespmem:$0x2170];
	v25 =	vnsel vm4, $0x0, v25;
	v42 =	vmul.f32 v26, v16;
	v20 =	vadd.f32 v20, v21  }
0x15b: {  	v29 =	vmov s29;
	vm2 =	vgt.s32 v28, $0x0;
	v40 =	vbroadcast v25, $0x0;
	v17 =	vld.idx.msk [tilespmem:v17+s4+$0x0], $0xffff  }
0x15c: {  	v47 =	vld [tilespmem:$0x21A0];
	v43 =	vnsel vm2, $0x0, v28;
	v45 =	vmul.f32 v27, v19;
	v20 =	vadd.f32 v42, v20  }
0x15d: {  	v44 =	vmov s28;
	vm2 =	vgt.s32 v29, $0x0;
	v26 =	vbroadcast v43, $0x0;
	v22 =	vld.idx.msk [tilespmem:v22+s4+$0x0], $0xffff  }
0x15e: {  	v50 =	vld [tilespmem:$0x21D0];
	v46 =	vnsel vm2, $0x0, v29;
	v48 =	vmul.f32 v41, v18;
	v20 =	vadd.f32 v45, v20  }
0x15f: {  	vm2 =	vgt.s32 v44, $0x0;
	v23 =	vld.idx.msk [tilespmem:v23+s4+$0x0], $0xffff;
	v27 =	vbroadcast v46, $0x0  }
0x160: {  	v52 =	vld [tilespmem:$0x2200];
	v49 =	vnsel vm2, $0x0, v44;
	v51 =	vmul.f32 v30, v17;
	v20 =	vadd.f32 v48, v20  }
0x161: {  	v25 =	vbroadcast v49, $0x0;
	v24 =	vld.idx.msk [tilespmem:v40+s4+$0x0], $0xffff  }
0x162: {  	v54 =	vld [tilespmem:$0x2230];
	v53 =	vmul.f32 v47, v22;
	v20 =	vadd.f32 v51, v20  }
0x163: {  	v26 =	vld.idx.msk [tilespmem:v26+s4+$0x0], $0xffff  }
0x164: {  	v56 =	vld [tilespmem:$0x2260];
	v55 =	vmul.f32 v50, v23;
	v20 =	vadd.f32 v53, v20  }
0x165: {  	v27 =	vld.idx.msk [tilespmem:v27+s4+$0x0], $0xffff  }
0x166: {  	v58 =	vld [tilespmem:$0x2290];
	v57 =	vmul.f32 v52, v24;
	v20 =	vadd.f32 v55, v20  }
0x167: {  	v25 =	vld.idx.msk [tilespmem:v25+s4+$0x0], $0xffff  }
0x168: {  	v59 =	vmul.f32 v54, v26;
	v20 =	vadd.f32 v57, v20;
	_ =	sdelay $0x1  }
0x169: {  	v60 =	vmul.f32 v56, v27;
	v20 =	vadd.f32 v59, v20;
	_ =	sdelay $0x1  }
0x16a: {  	v61 =	vmul.f32 v58, v25;
	v20 =	vadd.f32 v60, v20;
	_ =	sdelay $0x1  }
0x16b: {  	v20 =	vadd.f32 v61, v20  }
0x16c: {  	s31 =	sadd.s32 $0x30, s22  }
0x16d: {  	[tilespmem:s31+$0xFFFFFFF0] =	vst v20  }
0x16e: {  	v20 =	vld [tilespmem:$0x2090]  }
0x16f: {  	v62 =	vld [tilespmem:$0x20C0]  }
0x170: {  	v63 =	vld [tilespmem:s23+$0x2010];
	_ =	sdelay $0x1  }
0x171: {  	v33 =	vld [tilespmem:$0x20F0]  }
0x172: {  	v20 =	vmul.f32 v20, v14  }
0x173: {  	v34 =	vld [tilespmem:$0x2120]  }
0x174: {  	v21 =	vmul.f32 v62, v15;
	v20 =	vadd.f32 v20, v63  }
0x175: {  	v35 =	vld [tilespmem:$0x2150]  }
0x176: {  	v36 =	vmul.f32 v33, v16;
	v20 =	vadd.f32 v21, v20  }
0x177: {  	v37 =	vld [tilespmem:$0x2180]  }
0x178: {  	v38 =	vmul.f32 v34, v19;
	v20 =	vadd.f32 v36, v20  }
0x179: {  	v39 =	vld [tilespmem:$0x21B0]  }
0x17a: {  	v40 =	vmul.f32 v35, v18;
	v20 =	vadd.f32 v38, v20  }
0x17b: {  	v41 =	vld [tilespmem:$0x21E0]  }
0x17c: {  	v42 =	vmul.f32 v37, v17;
	v20 =	vadd.f32 v40, v20  }
0x17d: {  	v43 =	vld [tilespmem:$0x2210]  }
0x17e: {  	v44 =	vmul.f32 v39, v22;
	v20 =	vadd.f32 v42, v20  }
0x17f: {  	v45 =	vld [tilespmem:$0x2240]  }
0x180: {  	v46 =	vmul.f32 v41, v23;
	v20 =	vadd.f32 v44, v20  }
0x181: {  	v47 =	vld [tilespmem:$0x2270]  }
0x182: {  	v48 =	vmul.f32 v43, v24;
	v20 =	vadd.f32 v46, v20  }
0x183: {  	v49 =	vld [tilespmem:$0x22A0]  }
0x184: {  	v50 =	vmul.f32 v45, v26;
	v20 =	vadd.f32 v48, v20;
	_ =	sdelay $0x1  }
0x185: {  	v51 =	vmul.f32 v47, v27;
	v20 =	vadd.f32 v50, v20;
	_ =	sdelay $0x1  }
0x186: {  	v52 =	vmul.f32 v49, v25;
	v20 =	vadd.f32 v51, v20;
	_ =	sdelay $0x1  }
0x187: {  	v20 =	vadd.f32 v52, v20;
	_ =	sdelay $0x1  }
0x188: {  	[tilespmem:s31+$0x0] =	vst v20  }
0x189: {  	v20 =	vld [tilespmem:$0x20A0]  }
0x18a: {  	v53 =	vld [tilespmem:$0x20D0]  }
0x18b: {  	v54 =	vld [tilespmem:s23+$0x2020];
	_ =	sdelay $0x1  }
0x18c: {  	v55 =	vld [tilespmem:$0x2100]  }
0x18d: {  	v14 =	vmul.f32 v20, v14  }
0x18e: {  	v56 =	vld [tilespmem:$0x2130]  }
0x18f: {  	v15 =	vmul.f32 v53, v15;
	v14 =	vadd.f32 v14, v54  }
0x190: {  	v57 =	vld [tilespmem:$0x2160]  }
0x191: {  	v16 =	vmul.f32 v55, v16;
	v14 =	vadd.f32 v15, v14  }
0x192: {  	v15 =	vld [tilespmem:$0x2190]  }
0x193: {  	v19 =	vmul.f32 v56, v19;
	v14 =	vadd.f32 v16, v14  }
0x194: {  	v58 =	vld [tilespmem:$0x21C0]  }
0x195: {  	v18 =	vmul.f32 v57, v18;
	v14 =	vadd.f32 v19, v14  }
0x196: {  	v59 =	vld [tilespmem:$0x21F0]  }
0x197: {  	v15 =	vmul.f32 v15, v17;
	v14 =	vadd.f32 v18, v14  }
0x198: {  	v60 =	vld [tilespmem:$0x2220]  }
0x199: {  	v16 =	vmul.f32 v58, v22;
	v14 =	vadd.f32 v15, v14  }
0x19a: {  	v15 =	vld [tilespmem:$0x2250]  }
0x19b: {  	v61 =	vmul.f32 v59, v23;
	v14 =	vadd.f32 v16, v14  }
0x19c: {  	v62 =	vld [tilespmem:$0x2280]  }
0x19d: {  	v17 =	vmul.f32 v60, v24;
	v14 =	vadd.f32 v61, v14  }
0x19e: {  	v63 =	vld [tilespmem:$0x22B0]  }
0x19f: {  	v15 =	vmul.f32 v15, v26;
	v14 =	vadd.f32 v17, v14;
	_ =	sdelay $0x1  }
0x1a0: {  	v16 =	vmul.f32 v62, v27;
	v14 =	vadd.f32 v15, v14;
	_ =	sdelay $0x1  }
0x1a1: {  	v15 =	vmul.f32 v63, v25;
	v14 =	vadd.f32 v16, v14;
	_ =	sdelay $0x1  }
0x1a2: {  	v14 =	vadd.f32 v15, v14;
	_ =	sdelay $0x1  }
0x1a3: {  	[tilespmem:s31+$0x10] =	vst v14  }
0x1a4: {  	[tilespmem:$0x2380] =	vst v0  }
0x1a5: {  	[tilespmem:$0x2390] =	vst v0  }
0x1a6: {  	[tilespmem:$0x23A0] =	vst v0  }
.Ltmp3:
0x1a7: {  	[tilespmem:$0x23B0] =	vst v0;
	(pc) =	sbr.rel @p0 .LBB2_5-.Ltmp3, $4  }
0x1a8: {  	[tilespmem:$0x23C0] =	vst v0  }
0x1a9: {  	[tilespmem:$0x23D0] =	vst v0  }
0x1aa: {  	[tilespmem:$0x23E0] =	vst v0  }
0x1ab: {  	[tilespmem:$0x23F0] =	vst v0  }
0x1ac: {  	v14 =	vld @!p1 [tilespmem:$0x1F00]  }
0x1ad: {  	v15 =	vld @!p1 [tilespmem:$0x1F10]  }
0x1ae: {  	v16 =	vld @!p1 [tilespmem:$0x1F20]  }
0x1af: {  	v17 =	vimm.s32 @!p1 $0x54545452  }
0x1b0: {  	v17 =	vunpack.c.l.s4.s8 @!p1 v17  }
0x1b1: {  	v14 =	vmul.f32 @!p1 $6.928203110e+00, v14  }
0x1b2: {  	v18 =	vimm.s32 @!p1 $0x5040504;
	v17 =	vunpack.c.0.s8.s32 @!p1 v17;
	v15 =	vmul.f32 @!p1 $6.928203110e+00, v15  }
0x1b3: {  	[tilespmem:$0x680] =	vst @!p1 v14;
	v14 =	vmul.f32 @!p1 $6.928203110e+00, v16;
	v16 =	vunpack.c.0.s8.s32 @!p1 v18  }
0x1b4: {  	[tilespmem:$0x690] =	vst @!p1 v15;
	v15 =	vnsel @!p1 vm0, $0x5, v17  }
0x1b5: {  	[tilespmem:$0x6A0] =	vst @!p1 v14;
	v14 =	vsel @!p1 vm1, v16, v15  }
0x1b6: {  	[tilespmem:$0x2380] =	vst @!p1 v14  }
0x1b7: {  	[hbm4b:s10+s4] =	stream.linear.scatter [tilespmem:s18], [sflag:$0x1], $0x1800, $0x38;
	[tilespmem:$0x2480] =	vst v63  }
0x1b8: {  	_ =	swait.ge [sflag:s14], $0x1800  }
0x1b9: {  	[sflag:s14] =	ssyncset.done $0x0  }
.Ltmp4:
0x1ba: {  	[sflag:s14] =	ssyncadd.s32 $0xFFFFE800;
	(pc) =	sbr.rel .LBB2_6-.Ltmp4, $4  }
0x1bb: {  	[hbm4b:s11+s4] =	stream.linear.scatter [tilespmem:s19], [sflag:$0x1], $0x80, $0x38;
	[tilespmem:$0x2480] =	vst v63  }
0x1bc: {  	_ =	swait.ge [sflag:s14], $0x80  }
0x1bd: {  	[sflag:s14] =	ssyncset.done $0x0  }
0x1be: {  	[sflag:s14] =	ssyncadd.s32 $0xFFFFFF80  }
.LBB2_7:
0x1bf: {  	_ =	sfence.sel $0x180000  }
0x1c0: {  	[bflag:$0x0] =	sbarrier.arrive $0xFFFF  }
0x1c1: {  	_ =	strace $0x90000047  }
0x1c2: {  	s0 =	stileid.u32;
	[bflag:$0x2] =	sbarrier.arrive $0xFFFF  }
0x1c3: {  	p0 =	sne.s32 s0, $0x0;
	s0 =	rddreg [dreg:$0x4]  }
0x1c4: {  	s0 =	sadd.s32 @!p0 $0x100000, s0  }
0x1c5: {  	[sflag:s0] =	ssyncadd.tile.s32 @!p0 $0x1;
	_ =	shalt  }
.Lfunc_end2:
_tile_overlayer_lowered:
.L_overlay_start_2:
0x1c6: {  	(tag) =	ssettag $0x2  }
0x1c7: {  	s0 =	rddreg [dreg:$0x0];
	s2 =	stileid.u32  }
0x1c8: {  	s1 =	rddreg [dreg:$0x1];
	p0 =	sne.s32 s2, $0x0  }
0x1c9: {  	s3 =	rddreg [dreg:$0x2];
	[bflag:$0x3] =	sbarrier.arrive $0xFFFF;
	s2 =	simm.s32 @!p0 $0x1C01  }
0x1ca: {  	[timem:s3], [sflag:s2] =	dma.local @!p0 [hbm:s0], s1  }
0x1cb: {  	s0 =	simm.s32 @!p0 $0x1  }
0x1cc: {  	_ =	swait.ge @!p0 [sflag:s0], s1  }
0x1cd: {  	s1 =	ssub.s32 @!p0 $0x0, s1;
	[sflag:s0] =	ssyncset.done @!p0 $0x0  }
0x1ce: {  	[sflag:s0] =	ssyncadd.s32 @!p0 s1  }
0x1cf: {  	[bflag:$0x3] =	sbarrier.arrive $0xFFFF  }
0x1d0: {  	_ =	shalt  }

</sc_bundles>
